<compile_context>
chip_gen: v7x
topology: tpu7x:2x2x1
jax: 0.10.2.dev20260603
libtpu: 0.0.44.dev20260713+nightly
codegen_flags: <defaults>
</compile_context>

<pallas_src>
import jax
import jax.numpy as jnp
from jax import lax
from jax.experimental import pallas as pl
from jax.experimental.pallas import tpu as pltpu
from jax.experimental.pallas import tpu_sc as plsc

N_NODES = 10000
D = 128
HALF = D // 2
NUM_GRAPHS = 64
LAYERS = 3

NC = 2
NS = 16

K = 256
ACC_ROWS = 10240
ZCH = 64


def _scatter_body(h2_hbm, srcw_hbm, dstw_hbm, out_hbm,
                  src_v, dst_v, rows_v, zbuf, acc, sem):
    c = lax.axis_index("c")
    s = lax.axis_index("s")
    @pl.loop(0, ZCH)
    def _zrow(i):
        for j in range(HALF // 32):
            zbuf[i, pl.ds(j * 32, 32)] = jnp.zeros((32,), jnp.bfloat16)

    z0 = s * (ACC_ROWS // NS)
    for i in range(ACC_ROWS // NS // ZCH):
        pltpu.sync_copy(zbuf, acc.at[pl.ds(z0 + i * ZCH, ZCH)])

    pltpu.sync_copy(srcw_hbm.at[c, s], src_v)
    pltpu.sync_copy(dstw_hbm.at[s], dst_v)

    plsc.subcore_barrier()

    nch = dstw_hbm.shape[1]

    @pl.loop(0, nch)
    def _chunk(ch):
        pltpu.async_copy(h2_hbm.at[src_v.at[ch]], rows_v, sem).wait()
        pltpu.sync_copy(rows_v, acc.at[dst_v.at[ch]], add=True)

    plsc.subcore_barrier()

    pltpu.sync_copy(acc.at[pl.ds(z0, ACC_ROWS // NS)],
                    out_hbm.at[c, pl.ds(z0, ACC_ROWS // NS)])


def _make_scatter(nch):
    mesh = plsc.VectorSubcoreMesh(core_axis_name="c", subcore_axis_name="s",
                                  num_cores=NC, num_subcores=NS)
    return pl.kernel(
        _scatter_body,
        out_type=jax.ShapeDtypeStruct((NC, ACC_ROWS, HALF), jnp.bfloat16),
        mesh=mesh,
        compiler_params=pltpu.CompilerParams(use_tc_tiling_on_sc=False),
        scratch_types=[
            pltpu.VMEM((nch, K), jnp.int32),
            pltpu.VMEM((nch, K), jnp.int32),
            pltpu.VMEM((K, HALF), jnp.bfloat16),
            pltpu.VMEM((ZCH, HALF), jnp.bfloat16),
            pltpu.VMEM_SHARED((ACC_ROWS, HALF), jnp.bfloat16),
            pltpu.SemaphoreType.DMA,
        ],
    )


def _tc_layer_body(h_ref, agg_ref, batch_ref, eps_ref,
                   w1_ref, b1_ref, w2_ref, b2_ref, bnw_ref, bnb_ref,
                   pw1_ref, pb1_ref, pw2_ref, pb2_ref,
                   hout_ref, hbf_ref, pooled_ref):
    h = h_ref[...]
    agg = jnp.concatenate(
        [agg_ref[0, :N_NODES, :], agg_ref[1, :N_NODES, :]],
        axis=-1).astype(jnp.float32)
    g = (1.0 + eps_ref[0, 0]) * h + agg
    t = jnp.maximum(jnp.dot(g, w1_ref[...],
                            preferred_element_type=jnp.float32) + b1_ref[...], 0.0)
    g = jnp.dot(t, w2_ref[...], preferred_element_type=jnp.float32) + b2_ref[...]
    mean = jnp.mean(g, axis=0, keepdims=True)
    var = jnp.mean((g - mean) ** 2, axis=0, keepdims=True)
    g = bnw_ref[...] * (g - mean) * lax.rsqrt(var + 1e-5) + bnb_ref[...]
    g = jnp.maximum(g, 0.0)
    hout_ref[...] = g
    gb = g.astype(jnp.bfloat16)
    hbf_ref[pl.ds(0, N_NODES), :] = gb[:, :HALF]
    hbf_ref[pl.ds(N_NODES, N_NODES), :] = gb[:, HALF:]

    r = jnp.maximum(jnp.dot(g, pw1_ref[...],
                            preferred_element_type=jnp.float32) + pb1_ref[...], 0.0)
    oh = (jax.lax.broadcasted_iota(jnp.int32, (NUM_GRAPHS, N_NODES), 0)
          == batch_ref[...]).astype(jnp.float32)
    counts = jnp.sum(oh, axis=1, keepdims=True)
    pr = jnp.dot(oh, r, preferred_element_type=jnp.float32)
    num = jnp.dot(pr, pw2_ref[...],
                  preferred_element_type=jnp.float32) + counts * pb2_ref[...]
    pooled_ref[...] = num / jnp.maximum(counts, 1.0)


_tc_layer = pl.pallas_call(
    _tc_layer_body,
    out_shape=(
        jax.ShapeDtypeStruct((N_NODES, D), jnp.float32),
        jax.ShapeDtypeStruct((2 * N_NODES, HALF), jnp.bfloat16),
        jax.ShapeDtypeStruct((NUM_GRAPHS, 10), jnp.float32),
    ),
)


def kernel(x, edge_index, batch, W1, b1, W2, b2, eps, bnw, bnb, pW1, pb1, pW2, pb2):
    n_edges = edge_index.shape[1]
    per_s = -(-n_edges // NS)
    nch_tot = -(-per_s // K)
    pad = NS * nch_tot * K - n_edges

    src = edge_index[0].astype(jnp.int32)
    dst = edge_index[1].astype(jnp.int32)
    src = jnp.concatenate([src, jnp.zeros((pad,), jnp.int32)])
    dst = jnp.concatenate([dst, jnp.full((pad,), N_NODES, jnp.int32)])
    srcw = src.reshape(NS, nch_tot, K)
    srcw2 = jnp.stack([srcw, srcw + N_NODES])
    dstw = dst.reshape(NS, nch_tot, K)

    scatter = _make_scatter(nch_tot)
    batch2d = batch.astype(jnp.int32).reshape(1, N_NODES)

    h = x
    hb = jnp.concatenate([x[:, :HALF], x[:, HALF:]], axis=0).astype(jnp.bfloat16)
    outs = []
    for l in range(LAYERS):
        aggp = scatter(hb, srcw2, dstw)
        h, hb, pooled = _tc_layer(
            h, aggp, batch2d, eps[l].reshape(1, 1),
            W1[l], b1[l].reshape(1, D), W2[l], b2[l].reshape(1, D),
            bnw[l].reshape(1, D), bnb[l].reshape(1, D),
            pW1[l], pb1[l].reshape(1, D), pW2[l], pb2[l].reshape(1, 10),
        )
        outs.append(pooled)
    return jnp.concatenate(outs, axis=-1)

# --- scband reference (transcript-rebuilt; emitter-appended) ---
"""Pipeline reference for scband-gin-31447750541888 (READ-ONLY COPY).

The authoritative reference and input builder live on the scoring server;
editing this copy changes nothing except your own understanding.
"""

import jax, jax.numpy as jnp
import numpy as np

N_NODES = 10000
N_EDGES = 320000
D_FEAT = 128
HIDDEN = 128
TARGETS = 10
LAYERS = 3
NUM_GRAPHS = 64


def setup_inputs(seed: int = 0) -> dict:
    key = jax.random.key(seed)
    ks = jax.random.split(key, 16)
    x = jax.random.normal(ks[0], (N_NODES, D_FEAT), dtype=jnp.float32)
    edge_index = jax.random.randint(ks[1], (2, N_EDGES), 0, N_NODES, dtype=jnp.int64 if jax.config.jax_enable_x64 else jnp.int32)
    batch = jnp.sort(jax.random.randint(ks[2], (N_NODES,), 0, NUM_GRAPHS))
    s = 0.1
    inp = {
        "x": x,
        "edge_index": edge_index,
        "batch": batch,
        # GINConv MLP (Sequential Linear-ReLU-Linear); dim_features == hidden so stackable
        "W1": jax.random.normal(ks[3], (LAYERS, D_FEAT, HIDDEN), dtype=jnp.float32) * s,
        "b1": jax.random.normal(ks[4], (LAYERS, HIDDEN), dtype=jnp.float32) * s,
        "W2": jax.random.normal(ks[5], (LAYERS, HIDDEN, HIDDEN), dtype=jnp.float32) * s,
        "b2": jax.random.normal(ks[6], (LAYERS, HIDDEN), dtype=jnp.float32) * s,
        "eps": jnp.zeros((LAYERS,), dtype=jnp.float32),  # GINConv train_eps init 0
        "bnw": jnp.ones((LAYERS, HIDDEN), dtype=jnp.float32),
        "bnb": jnp.zeros((LAYERS, HIDDEN), dtype=jnp.float32),
        # per-layer projection MLP
        "pW1": jax.random.normal(ks[7], (LAYERS, HIDDEN, HIDDEN), dtype=jnp.float32) * s,
        "pb1": jax.random.normal(ks[8], (LAYERS, HIDDEN), dtype=jnp.float32) * s,
        "pW2": jax.random.normal(ks[9], (LAYERS, HIDDEN, TARGETS), dtype=jnp.float32) * s,
        "pb2": jax.random.normal(ks[10], (LAYERS, TARGETS), dtype=jnp.float32) * s,
    }
    return inp


def reference(x, edge_index, batch, W1, b1, W2, b2, eps, bnw, bnb, pW1, pb1, pW2, pb2):
    src = edge_index[0]
    dst = edge_index[1]
    ones = jnp.ones((x.shape[0], 1), dtype=jnp.float32)
    counts = jax.ops.segment_sum(ones, batch, num_segments=NUM_GRAPHS)
    counts = jnp.clip(counts, 1.0, None)
    h = x
    z_cat = []
    for l in range(LAYERS):
        # GINConv: nn((1+eps)*x + sum_{j in N(i)} x_j) with add aggregation (scatter-add)
        agg = jnp.zeros_like(h).at[dst].add(h[src])
        g = (1.0 + eps[l]) * h + agg
        g = jnp.maximum(g @ W1[l] + b1[l], 0.0) @ W2[l] + b2[l]
        # BatchNorm1d (training-mode batch stats, biased variance)
        mean = jnp.mean(g, axis=0)
        var = jnp.mean((g - mean) ** 2, axis=0)
        g = bnw[l] * (g - mean) / jnp.sqrt(var + 1e-5) + bnb[l]
        g = jnp.maximum(g, 0.0)
        # projection MLP: lin2(relu(lin1(z)))
        z = jnp.maximum(g @ pW1[l] + pb1[l], 0.0) @ pW2[l] + pb2[l]
        # global_mean_pool via segment_sum / counts
        pooled = jax.ops.segment_sum(z, batch, num_segments=NUM_GRAPHS) / counts
        z_cat.append(pooled)
        h = g
    return jnp.concatenate(z_cat, axis=-1)

if __name__ == "__main__":
    import jax
    _d = setup_inputs()
    print(jax.jit(kernel)(*tuple(_d.values())))

</pallas_src>

<mosaic_0001>
#map = affine_map<(d0, d1) -> (0, 0)>
#map1 = affine_map<(d0, d1) -> (0, 0, 0, 0)>
#map2 = affine_map<(d0, d1) -> (0, 0, 0)>
module attributes {stable_mosaic.version = 14 : i64} {
  func.func @_scatter_body(%arg0: i32, %arg1: i32, %arg2: memref<20000x64xbf16, #tpu.memory_space<hbm>>, %arg3: memref<2x16x79x256xi32, #tpu.memory_space<hbm>>, %arg4: memref<16x79x256xi32, #tpu.memory_space<hbm>>, %arg5: memref<2x10240x64xbf16, #tpu.memory_space<hbm>>, %arg6: memref<79x256xi32, #tpu.memory_space<vmem>>, %arg7: memref<79x256xi32, #tpu.memory_space<vmem>>, %arg8: memref<256x64xbf16, #tpu.memory_space<vmem>>, %arg9: memref<64x64xbf16, #tpu.memory_space<vmem>>, %arg10: memref<10240x64xbf16, #tpu.memory_space<vmem_shared>>, %arg11: memref<!tpu.dma_semaphore, #tpu.memory_space<semaphore_mem>>) attributes {dimension_semantics = [#tpu.dimension_semantics<core_parallel>, #tpu.dimension_semantics<subcore_parallel>], iteration_bounds = array<i64: 2, 16>, scalar_prefetch = 0 : i64, scratch_operands = 6 : i64, tpu.core_type = #tpu.core_type<sc_vector_subcore>, window_params = [{transform_indices = #map}, {transform_indices = #map1}, {transform_indices = #map2}, {transform_indices = #map2}]} {
    %scan3A = arith.constant 0 : i32
    %scan3A_0 = arith.constant 64 : i32
    %scan3A_1 = arith.addi %scan3A, %scan3A_0 : i32
    %scan3A_2 = arith.constant 1 : i32
    scf.for %scan3A_30 = %scan3A to %scan3A_1 step %scan3A_2  : i32 {
      %mul3A_31 = arith.constant 1 : i32
      %mul3A_32 = arith.muli %scan3A_30, %mul3A_31 : i32
      %add3A_33 = arith.constant 0 : i32
      %add3A_34 = arith.addi %add3A_33, %mul3A_32 : i32
      %broadcast_in_dim3A = arith.constant 0.000000e+00 : bf16
      %broadcast_in_dim3A_35 = vector.broadcast %broadcast_in_dim3A : bf16 to vector<32xbf16>
      %swap3A = arith.index_cast %add3A_34 : i32 to index
      %swap3A_36 = arith.constant 0 : index
      %swap3A_37 = tpu.vector_load %arg9[%swap3A, %swap3A_36] {strides = array<i32>} : memref<64x64xbf16, #tpu.memory_space<vmem>>, vector<1x32xbf16>,
      %swap3A_38 = vector.shape_cast %swap3A_37 : vector<1x32xbf16> to vector<32xbf16>
      %swap3A_39 = vector.shape_cast %broadcast_in_dim3A_35 : vector<32xbf16> to vector<1x32xbf16>
      tpu.vector_store %arg9[%swap3A, %swap3A_36], %swap3A_39 {strides = array<i32>} : memref<64x64xbf16, #tpu.memory_space<vmem>>, vector<1x32xbf16>,
      %broadcast_in_dim3A_40 = arith.constant 0.000000e+00 : bf16
      %broadcast_in_dim3A_41 = vector.broadcast %broadcast_in_dim3A_40 : bf16 to vector<32xbf16>
      %swap3A_42 = arith.index_cast %add3A_34 : i32 to index
      %swap3A_43 = arith.constant 32 : index
      %swap3A_44 = tpu.vector_load %arg9[%swap3A_42, %swap3A_43] {strides = array<i32>} : memref<64x64xbf16, #tpu.memory_space<vmem>>, vector<1x32xbf16>,
      %swap3A_45 = vector.shape_cast %swap3A_44 : vector<1x32xbf16> to vector<32xbf16>
      %swap3A_46 = vector.shape_cast %broadcast_in_dim3A_41 : vector<32xbf16> to vector<1x32xbf16>
      tpu.vector_store %arg9[%swap3A_42, %swap3A_43], %swap3A_46 {strides = array<i32>} : memref<64x64xbf16, #tpu.memory_space<vmem>>, vector<1x32xbf16>,
    }
    %scan3A_3 = arith.constant 64 : i32
    %mul3A = arith.constant 640 : i32
    %mul3A_4 = arith.muli %arg1, %mul3A : i32
    %add3A = arith.constant 0 : i32
    %add3A_5 = arith.addi %mul3A_4, %add3A : i32
    "tpu.region"() ({
      %run_scoped3A = tpu.sem_alloc : memref<!tpu.dma_semaphore, #tpu.memory_space<semaphore_mem>>
      %dma_start3A = arith.constant 0 : i32
      %dma_start3A_30 = tpu.memref_slice %arg10[%add3A_5, %dma_start3A] : memref<10240x64xbf16, #tpu.memory_space<vmem_shared>> -> memref<64x64xbf16, #tpu.memory_space<vmem_shared>>
      %dma_start3A_31 = arith.constant 0 : i32
      %dma_start3A_32 = tpu.memref_slice %arg10[%add3A_5, %dma_start3A_31] : memref<10240x64xbf16, #tpu.memory_space<vmem_shared>> -> memref<64x64xbf16, #tpu.memory_space<vmem_shared>>
      tpu.enqueue_dma source(%arg9 : memref<64x64xbf16, #tpu.memory_space<vmem>>) target(%dma_start3A_32 : memref<64x64xbf16, #tpu.memory_space<vmem_shared>>) target_semaphore(%run_scoped3A : memref<!tpu.dma_semaphore, #tpu.memory_space<semaphore_mem>>)
      %dma_wait3A = arith.constant 0 : i32
      %dma_wait3A_33 = tpu.memref_slice %arg10[%add3A_5, %dma_wait3A] : memref<10240x64xbf16, #tpu.memory_space<vmem_shared>> -> memref<64x64xbf16, #tpu.memory_space<vmem_shared>>
      %dma_wait3A_34 = arith.constant 0 : i32
      %dma_wait3A_35 = tpu.memref_slice %arg10[%add3A_5, %dma_wait3A_34] : memref<10240x64xbf16, #tpu.memory_space<vmem_shared>> -> memref<64x64xbf16, #tpu.memory_space<vmem_shared>>
      tpu.wait_dma2 semaphore(%run_scoped3A : memref<!tpu.dma_semaphore, #tpu.memory_space<semaphore_mem>>) src(%arg9 : memref<64x64xbf16, #tpu.memory_space<vmem>>) dst(%dma_wait3A_35 : memref<64x64xbf16, #tpu.memory_space<vmem_shared>>)
      tpu.yield
    }) : () -> ()
    %add3A_6 = arith.constant 64 : i32
    %add3A_7 = arith.addi %mul3A_4, %add3A_6 : i32
    "tpu.region"() ({
      %run_scoped3A = tpu.sem_alloc : memref<!tpu.dma_semaphore, #tpu.memory_space<semaphore_mem>>
      %dma_start3A = arith.constant 0 : i32
      %dma_start3A_30 = tpu.memref_slice %arg10[%add3A_7, %dma_start3A] : memref<10240x64xbf16, #tpu.memory_space<vmem_shared>> -> memref<64x64xbf16, #tpu.memory_space<vmem_shared>>
      %dma_start3A_31 = arith.constant 0 : i32
      %dma_start3A_32 = tpu.memref_slice %arg10[%add3A_7, %dma_start3A_31] : memref<10240x64xbf16, #tpu.memory_space<vmem_shared>> -> memref<64x64xbf16, #tpu.memory_space<vmem_shared>>
      tpu.enqueue_dma source(%arg9 : memref<64x64xbf16, #tpu.memory_space<vmem>>) target(%dma_start3A_32 : memref<64x64xbf16, #tpu.memory_space<vmem_shared>>) target_semaphore(%run_scoped3A : memref<!tpu.dma_semaphore, #tpu.memory_space<semaphore_mem>>)
      %dma_wait3A = arith.constant 0 : i32
      %dma_wait3A_33 = tpu.memref_slice %arg10[%add3A_7, %dma_wait3A] : memref<10240x64xbf16, #tpu.memory_space<vmem_shared>> -> memref<64x64xbf16, #tpu.memory_space<vmem_shared>>
      %dma_wait3A_34 = arith.constant 0 : i32
      %dma_wait3A_35 = tpu.memref_slice %arg10[%add3A_7, %dma_wait3A_34] : memref<10240x64xbf16, #tpu.memory_space<vmem_shared>> -> memref<64x64xbf16, #tpu.memory_space<vmem_shared>>
      tpu.wait_dma2 semaphore(%run_scoped3A : memref<!tpu.dma_semaphore, #tpu.memory_space<semaphore_mem>>) src(%arg9 : memref<64x64xbf16, #tpu.memory_space<vmem>>) dst(%dma_wait3A_35 : memref<64x64xbf16, #tpu.memory_space<vmem_shared>>)
      tpu.yield
    }) : () -> ()
    %add3A_8 = arith.constant 128 : i32
    %add3A_9 = arith.addi %mul3A_4, %add3A_8 : i32
    "tpu.region"() ({
      %run_scoped3A = tpu.sem_alloc : memref<!tpu.dma_semaphore, #tpu.memory_space<semaphore_mem>>
      %dma_start3A = arith.constant 0 : i32
      %dma_start3A_30 = tpu.memref_slice %arg10[%add3A_9, %dma_start3A] : memref<10240x64xbf16, #tpu.memory_space<vmem_shared>> -> memref<64x64xbf16, #tpu.memory_space<vmem_shared>>
      %dma_start3A_31 = arith.constant 0 : i32
      %dma_start3A_32 = tpu.memref_slice %arg10[%add3A_9, %dma_start3A_31] : memref<10240x64xbf16, #tpu.memory_space<vmem_shared>> -> memref<64x64xbf16, #tpu.memory_space<vmem_shared>>
      tpu.enqueue_dma source(%arg9 : memref<64x64xbf16, #tpu.memory_space<vmem>>) target(%dma_start3A_32 : memref<64x64xbf16, #tpu.memory_space<vmem_shared>>) target_semaphore(%run_scoped3A : memref<!tpu.dma_semaphore, #tpu.memory_space<semaphore_mem>>)
      %dma_wait3A = arith.constant 0 : i32
      %dma_wait3A_33 = tpu.memref_slice %arg10[%add3A_9, %dma_wait3A] : memref<10240x64xbf16, #tpu.memory_space<vmem_shared>> -> memref<64x64xbf16, #tpu.memory_space<vmem_shared>>
      %dma_wait3A_34 = arith.constant 0 : i32
      %dma_wait3A_35 = tpu.memref_slice %arg10[%add3A_9, %dma_wait3A_34] : memref<10240x64xbf16, #tpu.memory_space<vmem_shared>> -> memref<64x64xbf16, #tpu.memory_space<vmem_shared>>
      tpu.wait_dma2 semaphore(%run_scoped3A : memref<!tpu.dma_semaphore, #tpu.memory_space<semaphore_mem>>) src(%arg9 : memref<64x64xbf16, #tpu.memory_space<vmem>>) dst(%dma_wait3A_35 : memref<64x64xbf16, #tpu.memory_space<vmem_shared>>)
      tpu.yield
    }) : () -> ()
    %add3A_10 = arith.constant 192 : i32
    %add3A_11 = arith.addi %mul3A_4, %add3A_10 : i32
    "tpu.region"() ({
      %run_scoped3A = tpu.sem_alloc : memref<!tpu.dma_semaphore, #tpu.memory_space<semaphore_mem>>
      %dma_start3A = arith.constant 0 : i32
      %dma_start3A_30 = tpu.memref_slice %arg10[%add3A_11, %dma_start3A] : memref<10240x64xbf16, #tpu.memory_space<vmem_shared>> -> memref<64x64xbf16, #tpu.memory_space<vmem_shared>>
      %dma_start3A_31 = arith.constant 0 : i32
      %dma_start3A_32 = tpu.memref_slice %arg10[%add3A_11, %dma_start3A_31] : memref<10240x64xbf16, #tpu.memory_space<vmem_shared>> -> memref<64x64xbf16, #tpu.memory_space<vmem_shared>>
      tpu.enqueue_dma source(%arg9 : memref<64x64xbf16, #tpu.memory_space<vmem>>) target(%dma_start3A_32 : memref<64x64xbf16, #tpu.memory_space<vmem_shared>>) target_semaphore(%run_scoped3A : memref<!tpu.dma_semaphore, #tpu.memory_space<semaphore_mem>>)
      %dma_wait3A = arith.constant 0 : i32
      %dma_wait3A_33 = tpu.memref_slice %arg10[%add3A_11, %dma_wait3A] : memref<10240x64xbf16, #tpu.memory_space<vmem_shared>> -> memref<64x64xbf16, #tpu.memory_space<vmem_shared>>
      %dma_wait3A_34 = arith.constant 0 : i32
      %dma_wait3A_35 = tpu.memref_slice %arg10[%add3A_11, %dma_wait3A_34] : memref<10240x64xbf16, #tpu.memory_space<vmem_shared>> -> memref<64x64xbf16, #tpu.memory_space<vmem_shared>>
      tpu.wait_dma2 semaphore(%run_scoped3A : memref<!tpu.dma_semaphore, #tpu.memory_space<semaphore_mem>>) src(%arg9 : memref<64x64xbf16, #tpu.memory_space<vmem>>) dst(%dma_wait3A_35 : memref<64x64xbf16, #tpu.memory_space<vmem_shared>>)
      tpu.yield
    }) : () -> ()
    %add3A_12 = arith.constant 256 : i32
    %add3A_13 = arith.addi %mul3A_4, %add3A_12 : i32
    "tpu.region"() ({
      %run_scoped3A = tpu.sem_alloc : memref<!tpu.dma_semaphore, #tpu.memory_space<semaphore_mem>>
      %dma_start3A = arith.constant 0 : i32
      %dma_start3A_30 = tpu.memref_slice %arg10[%add3A_13, %dma_start3A] : memref<10240x64xbf16, #tpu.memory_space<vmem_shared>> -> memref<64x64xbf16, #tpu.memory_space<vmem_shared>>
      %dma_start3A_31 = arith.constant 0 : i32
      %dma_start3A_32 = tpu.memref_slice %arg10[%add3A_13, %dma_start3A_31] : memref<10240x64xbf16, #tpu.memory_space<vmem_shared>> -> memref<64x64xbf16, #tpu.memory_space<vmem_shared>>
      tpu.enqueue_dma source(%arg9 : memref<64x64xbf16, #tpu.memory_space<vmem>>) target(%dma_start3A_32 : memref<64x64xbf16, #tpu.memory_space<vmem_shared>>) target_semaphore(%run_scoped3A : memref<!tpu.dma_semaphore, #tpu.memory_space<semaphore_mem>>)
      %dma_wait3A = arith.constant 0 : i32
      %dma_wait3A_33 = tpu.memref_slice %arg10[%add3A_13, %dma_wait3A] : memref<10240x64xbf16, #tpu.memory_space<vmem_shared>> -> memref<64x64xbf16, #tpu.memory_space<vmem_shared>>
      %dma_wait3A_34 = arith.constant 0 : i32
      %dma_wait3A_35 = tpu.memref_slice %arg10[%add3A_13, %dma_wait3A_34] : memref<10240x64xbf16, #tpu.memory_space<vmem_shared>> -> memref<64x64xbf16, #tpu.memory_space<vmem_shared>>
      tpu.wait_dma2 semaphore(%run_scoped3A : memref<!tpu.dma_semaphore, #tpu.memory_space<semaphore_mem>>) src(%arg9 : memref<64x64xbf16, #tpu.memory_space<vmem>>) dst(%dma_wait3A_35 : memref<64x64xbf16, #tpu.memory_space<vmem_shared>>)
      tpu.yield
    }) : () -> ()
    %add3A_14 = arith.constant 320 : i32
    %add3A_15 = arith.addi %mul3A_4, %add3A_14 : i32
    "tpu.region"() ({
      %run_scoped3A = tpu.sem_alloc : memref<!tpu.dma_semaphore, #tpu.memory_space<semaphore_mem>>
      %dma_start3A = arith.constant 0 : i32
      %dma_start3A_30 = tpu.memref_slice %arg10[%add3A_15, %dma_start3A] : memref<10240x64xbf16, #tpu.memory_space<vmem_shared>> -> memref<64x64xbf16, #tpu.memory_space<vmem_shared>>
      %dma_start3A_31 = arith.constant 0 : i32
      %dma_start3A_32 = tpu.memref_slice %arg10[%add3A_15, %dma_start3A_31] : memref<10240x64xbf16, #tpu.memory_space<vmem_shared>> -> memref<64x64xbf16, #tpu.memory_space<vmem_shared>>
      tpu.enqueue_dma source(%arg9 : memref<64x64xbf16, #tpu.memory_space<vmem>>) target(%dma_start3A_32 : memref<64x64xbf16, #tpu.memory_space<vmem_shared>>) target_semaphore(%run_scoped3A : memref<!tpu.dma_semaphore, #tpu.memory_space<semaphore_mem>>)
      %dma_wait3A = arith.constant 0 : i32
      %dma_wait3A_33 = tpu.memref_slice %arg10[%add3A_15, %dma_wait3A] : memref<10240x64xbf16, #tpu.memory_space<vmem_shared>> -> memref<64x64xbf16, #tpu.memory_space<vmem_shared>>
      %dma_wait3A_34 = arith.constant 0 : i32
      %dma_wait3A_35 = tpu.memref_slice %arg10[%add3A_15, %dma_wait3A_34] : memref<10240x64xbf16, #tpu.memory_space<vmem_shared>> -> memref<64x64xbf16, #tpu.memory_space<vmem_shared>>
      tpu.wait_dma2 semaphore(%run_scoped3A : memref<!tpu.dma_semaphore, #tpu.memory_space<semaphore_mem>>) src(%arg9 : memref<64x64xbf16, #tpu.memory_space<vmem>>) dst(%dma_wait3A_35 : memref<64x64xbf16, #tpu.memory_space<vmem_shared>>)
      tpu.yield
    }) : () -> ()
    %add3A_16 = arith.constant 384 : i32
    %add3A_17 = arith.addi %mul3A_4, %add3A_16 : i32
    "tpu.region"() ({
      %run_scoped3A = tpu.sem_alloc : memref<!tpu.dma_semaphore, #tpu.memory_space<semaphore_mem>>
      %dma_start3A = arith.constant 0 : i32
      %dma_start3A_30 = tpu.memref_slice %arg10[%add3A_17, %dma_start3A] : memref<10240x64xbf16, #tpu.memory_space<vmem_shared>> -> memref<64x64xbf16, #tpu.memory_space<vmem_shared>>
      %dma_start3A_31 = arith.constant 0 : i32
      %dma_start3A_32 = tpu.memref_slice %arg10[%add3A_17, %dma_start3A_31] : memref<10240x64xbf16, #tpu.memory_space<vmem_shared>> -> memref<64x64xbf16, #tpu.memory_space<vmem_shared>>
      tpu.enqueue_dma source(%arg9 : memref<64x64xbf16, #tpu.memory_space<vmem>>) target(%dma_start3A_32 : memref<64x64xbf16, #tpu.memory_space<vmem_shared>>) target_semaphore(%run_scoped3A : memref<!tpu.dma_semaphore, #tpu.memory_space<semaphore_mem>>)
      %dma_wait3A = arith.constant 0 : i32
      %dma_wait3A_33 = tpu.memref_slice %arg10[%add3A_17, %dma_wait3A] : memref<10240x64xbf16, #tpu.memory_space<vmem_shared>> -> memref<64x64xbf16, #tpu.memory_space<vmem_shared>>
      %dma_wait3A_34 = arith.constant 0 : i32
      %dma_wait3A_35 = tpu.memref_slice %arg10[%add3A_17, %dma_wait3A_34] : memref<10240x64xbf16, #tpu.memory_space<vmem_shared>> -> memref<64x64xbf16, #tpu.memory_space<vmem_shared>>
      tpu.wait_dma2 semaphore(%run_scoped3A : memref<!tpu.dma_semaphore, #tpu.memory_space<semaphore_mem>>) src(%arg9 : memref<64x64xbf16, #tpu.memory_space<vmem>>) dst(%dma_wait3A_35 : memref<64x64xbf16, #tpu.memory_space<vmem_shared>>)
      tpu.yield
    }) : () -> ()
    %add3A_18 = arith.constant 448 : i32
    %add3A_19 = arith.addi %mul3A_4, %add3A_18 : i32
    "tpu.region"() ({
      %run_scoped3A = tpu.sem_alloc : memref<!tpu.dma_semaphore, #tpu.memory_space<semaphore_mem>>
      %dma_start3A = arith.constant 0 : i32
      %dma_start3A_30 = tpu.memref_slice %arg10[%add3A_19, %dma_start3A] : memref<10240x64xbf16, #tpu.memory_space<vmem_shared>> -> memref<64x64xbf16, #tpu.memory_space<vmem_shared>>
      %dma_start3A_31 = arith.constant 0 : i32
      %dma_start3A_32 = tpu.memref_slice %arg10[%add3A_19, %dma_start3A_31] : memref<10240x64xbf16, #tpu.memory_space<vmem_shared>> -> memref<64x64xbf16, #tpu.memory_space<vmem_shared>>
      tpu.enqueue_dma source(%arg9 : memref<64x64xbf16, #tpu.memory_space<vmem>>) target(%dma_start3A_32 : memref<64x64xbf16, #tpu.memory_space<vmem_shared>>) target_semaphore(%run_scoped3A : memref<!tpu.dma_semaphore, #tpu.memory_space<semaphore_mem>>)
      %dma_wait3A = arith.constant 0 : i32
      %dma_wait3A_33 = tpu.memref_slice %arg10[%add3A_19, %dma_wait3A] : memref<10240x64xbf16, #tpu.memory_space<vmem_shared>> -> memref<64x64xbf16, #tpu.memory_space<vmem_shared>>
      %dma_wait3A_34 = arith.constant 0 : i32
      %dma_wait3A_35 = tpu.memref_slice %arg10[%add3A_19, %dma_wait3A_34] : memref<10240x64xbf16, #tpu.memory_space<vmem_shared>> -> memref<64x64xbf16, #tpu.memory_space<vmem_shared>>
      tpu.wait_dma2 semaphore(%run_scoped3A : memref<!tpu.dma_semaphore, #tpu.memory_space<semaphore_mem>>) src(%arg9 : memref<64x64xbf16, #tpu.memory_space<vmem>>) dst(%dma_wait3A_35 : memref<64x64xbf16, #tpu.memory_space<vmem_shared>>)
      tpu.yield
    }) : () -> ()
    %add3A_20 = arith.constant 512 : i32
    %add3A_21 = arith.addi %mul3A_4, %add3A_20 : i32
    "tpu.region"() ({
      %run_scoped3A = tpu.sem_alloc : memref<!tpu.dma_semaphore, #tpu.memory_space<semaphore_mem>>
      %dma_start3A = arith.constant 0 : i32
      %dma_start3A_30 = tpu.memref_slice %arg10[%add3A_21, %dma_start3A] : memref<10240x64xbf16, #tpu.memory_space<vmem_shared>> -> memref<64x64xbf16, #tpu.memory_space<vmem_shared>>
      %dma_start3A_31 = arith.constant 0 : i32
      %dma_start3A_32 = tpu.memref_slice %arg10[%add3A_21, %dma_start3A_31] : memref<10240x64xbf16, #tpu.memory_space<vmem_shared>> -> memref<64x64xbf16, #tpu.memory_space<vmem_shared>>
      tpu.enqueue_dma source(%arg9 : memref<64x64xbf16, #tpu.memory_space<vmem>>) target(%dma_start3A_32 : memref<64x64xbf16, #tpu.memory_space<vmem_shared>>) target_semaphore(%run_scoped3A : memref<!tpu.dma_semaphore, #tpu.memory_space<semaphore_mem>>)
      %dma_wait3A = arith.constant 0 : i32
      %dma_wait3A_33 = tpu.memref_slice %arg10[%add3A_21, %dma_wait3A] : memref<10240x64xbf16, #tpu.memory_space<vmem_shared>> -> memref<64x64xbf16, #tpu.memory_space<vmem_shared>>
      %dma_wait3A_34 = arith.constant 0 : i32
      %dma_wait3A_35 = tpu.memref_slice %arg10[%add3A_21, %dma_wait3A_34] : memref<10240x64xbf16, #tpu.memory_space<vmem_shared>> -> memref<64x64xbf16, #tpu.memory_space<vmem_shared>>
      tpu.wait_dma2 semaphore(%run_scoped3A : memref<!tpu.dma_semaphore, #tpu.memory_space<semaphore_mem>>) src(%arg9 : memref<64x64xbf16, #tpu.memory_space<vmem>>) dst(%dma_wait3A_35 : memref<64x64xbf16, #tpu.memory_space<vmem_shared>>)
      tpu.yield
    }) : () -> ()
    %add3A_22 = arith.constant 576 : i32
    %add3A_23 = arith.addi %mul3A_4, %add3A_22 : i32
    "tpu.region"() ({
      %run_scoped3A = tpu.sem_alloc : memref<!tpu.dma_semaphore, #tpu.memory_space<semaphore_mem>>
      %dma_start3A = arith.constant 0 : i32
      %dma_start3A_30 = tpu.memref_slice %arg10[%add3A_23, %dma_start3A] : memref<10240x64xbf16, #tpu.memory_space<vmem_shared>> -> memref<64x64xbf16, #tpu.memory_space<vmem_shared>>
      %dma_start3A_31 = arith.constant 0 : i32
      %dma_start3A_32 = tpu.memref_slice %arg10[%add3A_23, %dma_start3A_31] : memref<10240x64xbf16, #tpu.memory_space<vmem_shared>> -> memref<64x64xbf16, #tpu.memory_space<vmem_shared>>
      tpu.enqueue_dma source(%arg9 : memref<64x64xbf16, #tpu.memory_space<vmem>>) target(%dma_start3A_32 : memref<64x64xbf16, #tpu.memory_space<vmem_shared>>) target_semaphore(%run_scoped3A : memref<!tpu.dma_semaphore, #tpu.memory_space<semaphore_mem>>)
      %dma_wait3A = arith.constant 0 : i32
      %dma_wait3A_33 = tpu.memref_slice %arg10[%add3A_23, %dma_wait3A] : memref<10240x64xbf16, #tpu.memory_space<vmem_shared>> -> memref<64x64xbf16, #tpu.memory_space<vmem_shared>>
      %dma_wait3A_34 = arith.constant 0 : i32
      %dma_wait3A_35 = tpu.memref_slice %arg10[%add3A_23, %dma_wait3A_34] : memref<10240x64xbf16, #tpu.memory_space<vmem_shared>> -> memref<64x64xbf16, #tpu.memory_space<vmem_shared>>
      tpu.wait_dma2 semaphore(%run_scoped3A : memref<!tpu.dma_semaphore, #tpu.memory_space<semaphore_mem>>) src(%arg9 : memref<64x64xbf16, #tpu.memory_space<vmem>>) dst(%dma_wait3A_35 : memref<64x64xbf16, #tpu.memory_space<vmem_shared>>)
      tpu.yield
    }) : () -> ()
    "tpu.region"() ({
      %run_scoped3A = tpu.sem_alloc : memref<!tpu.dma_semaphore, #tpu.memory_space<semaphore_mem>>
      %dma_start3A = arith.constant 0 : i32
      %dma_start3A_30 = arith.constant 0 : i32
      %dma_start3A_31 = tpu.memref_slice %arg3[%arg0, %arg1, %dma_start3A, %dma_start3A_30] : memref<2x16x79x256xi32, #tpu.memory_space<hbm>> -> memref<1x1x79x256xi32, #tpu.memory_space<hbm>>
      %dma_start3A_32 = tpu.memref_squeeze %dma_start3A_31 : memref<1x1x79x256xi32, #tpu.memory_space<hbm>> -> memref<79x256xi32, #tpu.memory_space<hbm>>
      %dma_start3A_33 = arith.constant 0 : i32
      %dma_start3A_34 = arith.constant 0 : i32
      %dma_start3A_35 = tpu.memref_slice %arg3[%arg0, %arg1, %dma_start3A_33, %dma_start3A_34] : memref<2x16x79x256xi32, #tpu.memory_space<hbm>> -> memref<1x1x79x256xi32, #tpu.memory_space<hbm>>
      %dma_start3A_36 = tpu.memref_squeeze %dma_start3A_35 : memref<1x1x79x256xi32, #tpu.memory_space<hbm>> -> memref<79x256xi32, #tpu.memory_space<hbm>>
      tpu.enqueue_dma source(%dma_start3A_36 : memref<79x256xi32, #tpu.memory_space<hbm>>) target(%arg6 : memref<79x256xi32, #tpu.memory_space<vmem>>) target_semaphore(%run_scoped3A : memref<!tpu.dma_semaphore, #tpu.memory_space<semaphore_mem>>)
      %dma_wait3A = arith.constant 0 : i32
      %dma_wait3A_37 = arith.constant 0 : i32
      %dma_wait3A_38 = tpu.memref_slice %arg3[%arg0, %arg1, %dma_wait3A, %dma_wait3A_37] : memref<2x16x79x256xi32, #tpu.memory_space<hbm>> -> memref<1x1x79x256xi32, #tpu.memory_space<hbm>>
      %dma_wait3A_39 = tpu.memref_squeeze %dma_wait3A_38 : memref<1x1x79x256xi32, #tpu.memory_space<hbm>> -> memref<79x256xi32, #tpu.memory_space<hbm>>
      %dma_wait3A_40 = arith.constant 0 : i32
      %dma_wait3A_41 = arith.constant 0 : i32
      %dma_wait3A_42 = tpu.memref_slice %arg3[%arg0, %arg1, %dma_wait3A_40, %dma_wait3A_41] : memref<2x16x79x256xi32, #tpu.memory_space<hbm>> -> memref<1x1x79x256xi32, #tpu.memory_space<hbm>>
      %dma_wait3A_43 = tpu.memref_squeeze %dma_wait3A_42 : memref<1x1x79x256xi32, #tpu.memory_space<hbm>> -> memref<79x256xi32, #tpu.memory_space<hbm>>
      tpu.wait_dma2 semaphore(%run_scoped3A : memref<!tpu.dma_semaphore, #tpu.memory_space<semaphore_mem>>) src(%dma_wait3A_43 : memref<79x256xi32, #tpu.memory_space<hbm>>) dst(%arg6 : memref<79x256xi32, #tpu.memory_space<vmem>>)
      tpu.yield
    }) : () -> ()
    "tpu.region"() ({
      %run_scoped3A = tpu.sem_alloc : memref<!tpu.dma_semaphore, #tpu.memory_space<semaphore_mem>>
      %dma_start3A = arith.constant 0 : i32
      %dma_start3A_30 = arith.constant 0 : i32
      %dma_start3A_31 = tpu.memref_slice %arg4[%arg1, %dma_start3A, %dma_start3A_30] : memref<16x79x256xi32, #tpu.memory_space<hbm>> -> memref<1x79x256xi32, #tpu.memory_space<hbm>>
      %dma_start3A_32 = tpu.memref_squeeze %dma_start3A_31 : memref<1x79x256xi32, #tpu.memory_space<hbm>> -> memref<79x256xi32, #tpu.memory_space<hbm>>
      %dma_start3A_33 = arith.constant 0 : i32
      %dma_start3A_34 = arith.constant 0 : i32
      %dma_start3A_35 = tpu.memref_slice %arg4[%arg1, %dma_start3A_33, %dma_start3A_34] : memref<16x79x256xi32, #tpu.memory_space<hbm>> -> memref<1x79x256xi32, #tpu.memory_space<hbm>>
      %dma_start3A_36 = tpu.memref_squeeze %dma_start3A_35 : memref<1x79x256xi32, #tpu.memory_space<hbm>> -> memref<79x256xi32, #tpu.memory_space<hbm>>
      tpu.enqueue_dma source(%dma_start3A_36 : memref<79x256xi32, #tpu.memory_space<hbm>>) target(%arg7 : memref<79x256xi32, #tpu.memory_space<vmem>>) target_semaphore(%run_scoped3A : memref<!tpu.dma_semaphore, #tpu.memory_space<semaphore_mem>>)
      %dma_wait3A = arith.constant 0 : i32
      %dma_wait3A_37 = arith.constant 0 : i32
      %dma_wait3A_38 = tpu.memref_slice %arg4[%arg1, %dma_wait3A, %dma_wait3A_37] : memref<16x79x256xi32, #tpu.memory_space<hbm>> -> memref<1x79x256xi32, #tpu.memory_space<hbm>>
      %dma_wait3A_39 = tpu.memref_squeeze %dma_wait3A_38 : memref<1x79x256xi32, #tpu.memory_space<hbm>> -> memref<79x256xi32, #tpu.memory_space<hbm>>
      %dma_wait3A_40 = arith.constant 0 : i32
      %dma_wait3A_41 = arith.constant 0 : i32
      %dma_wait3A_42 = tpu.memref_slice %arg4[%arg1, %dma_wait3A_40, %dma_wait3A_41] : memref<16x79x256xi32, #tpu.memory_space<hbm>> -> memref<1x79x256xi32, #tpu.memory_space<hbm>>
      %dma_wait3A_43 = tpu.memref_squeeze %dma_wait3A_42 : memref<1x79x256xi32, #tpu.memory_space<hbm>> -> memref<79x256xi32, #tpu.memory_space<hbm>>
      tpu.wait_dma2 semaphore(%run_scoped3A : memref<!tpu.dma_semaphore, #tpu.memory_space<semaphore_mem>>) src(%dma_wait3A_43 : memref<79x256xi32, #tpu.memory_space<hbm>>) dst(%arg7 : memref<79x256xi32, #tpu.memory_space<vmem>>)
      tpu.yield
    }) : () -> ()
    %barrier3A = arith.constant 0 : index
    tpu.barrier barrier_id(%barrier3A)
    %scan3A_24 = arith.constant 0 : i32
    %scan3A_25 = arith.constant 79 : i32
    %scan3A_26 = arith.addi %scan3A_24, %scan3A_25 : i32
    %scan3A_27 = arith.constant 1 : i32
    scf.for %scan3A_30 = %scan3A_24 to %scan3A_26 step %scan3A_27  : i32 {
      %mul3A_31 = arith.constant 1 : i32
      %mul3A_32 = arith.muli %scan3A_30, %mul3A_31 : i32
      %add3A_33 = arith.constant 0 : i32
      %add3A_34 = arith.addi %add3A_33, %mul3A_32 : i32
      %dma_start3A = arith.constant 0 : i32
      %dma_start3A_35 = tpu.memref_slice %arg6[%add3A_34, %dma_start3A] : memref<79x256xi32, #tpu.memory_space<vmem>> -> memref<1x256xi32, #tpu.memory_space<vmem>>
      %dma_start3A_36 = tpu.memref_squeeze %dma_start3A_35 : memref<1x256xi32, #tpu.memory_space<vmem>> -> memref<256xi32, #tpu.memory_space<vmem>>
      %dma_start3A_37 = arith.constant 0 : i32
      %dma_start3A_38 = arith.constant 0 : i32
      %dma_start3A_39 = tpu.memref_slice %arg2[%dma_start3A_37, %dma_start3A_38] : memref<20000x64xbf16, #tpu.memory_space<hbm>> -> memref<20000x64xbf16, #tpu.memory_space<hbm>>
      tpu.enqueue_indirect_dma source(%dma_start3A_39 : memref<20000x64xbf16, #tpu.memory_space<hbm>>) target(%arg8 : memref<256x64xbf16, #tpu.memory_space<vmem>>) offsets(%dma_start3A_36 : memref<256xi32, #tpu.memory_space<vmem>>) semaphore(%arg11 : memref<!tpu.dma_semaphore, #tpu.memory_space<semaphore_mem>>)
      %dma_wait3A = arith.constant 0 : i32
      %dma_wait3A_40 = tpu.memref_slice %arg6[%add3A_34, %dma_wait3A] : memref<79x256xi32, #tpu.memory_space<vmem>> -> memref<1x256xi32, #tpu.memory_space<vmem>>
      %dma_wait3A_41 = tpu.memref_squeeze %dma_wait3A_40 : memref<1x256xi32, #tpu.memory_space<vmem>> -> memref<256xi32, #tpu.memory_space<vmem>>
      %dma_wait3A_42 = arith.constant 0 : i32
      %dma_wait3A_43 = arith.constant 0 : i32
      %dma_wait3A_44 = tpu.memref_slice %arg2[%dma_wait3A_42, %dma_wait3A_43] : memref<20000x64xbf16, #tpu.memory_space<hbm>> -> memref<20000x64xbf16, #tpu.memory_space<hbm>>
      tpu.wait_indirect_dma semaphore(%arg11 : memref<!tpu.dma_semaphore, #tpu.memory_space<semaphore_mem>>) src(%dma_wait3A_44 : memref<20000x64xbf16, #tpu.memory_space<hbm>>) dst(%arg8 : memref<256x64xbf16, #tpu.memory_space<vmem>>)
      "tpu.region"() ({
        %run_scoped3A = tpu.sem_alloc : memref<!tpu.dma_semaphore, #tpu.memory_space<semaphore_mem>>
        %dma_start3A_45 = arith.constant 0 : i32
        %dma_start3A_46 = tpu.memref_slice %arg7[%add3A_34, %dma_start3A_45] : memref<79x256xi32, #tpu.memory_space<vmem>> -> memref<1x256xi32, #tpu.memory_space<vmem>>
        %dma_start3A_47 = tpu.memref_squeeze %dma_start3A_46 : memref<1x256xi32, #tpu.memory_space<vmem>> -> memref<256xi32, #tpu.memory_space<vmem>>
        %dma_start3A_48 = arith.constant 0 : i32
        %dma_start3A_49 = arith.constant 0 : i32
        %dma_start3A_50 = tpu.memref_slice %arg10[%dma_start3A_48, %dma_start3A_49] : memref<10240x64xbf16, #tpu.memory_space<vmem_shared>> -> memref<10240x64xbf16, #tpu.memory_space<vmem_shared>>
        tpu.enqueue_indirect_dma source(%arg8 : memref<256x64xbf16, #tpu.memory_space<vmem>>) target(%dma_start3A_50 : memref<10240x64xbf16, #tpu.memory_space<vmem_shared>>) offsets(%dma_start3A_47 : memref<256xi32, #tpu.memory_space<vmem>>) semaphore(%run_scoped3A : memref<!tpu.dma_semaphore, #tpu.memory_space<semaphore_mem>>) {add = true}
        %dma_wait3A_51 = arith.constant 0 : i32
        %dma_wait3A_52 = tpu.memref_slice %arg7[%add3A_34, %dma_wait3A_51] : memref<79x256xi32, #tpu.memory_space<vmem>> -> memref<1x256xi32, #tpu.memory_space<vmem>>
        %dma_wait3A_53 = tpu.memref_squeeze %dma_wait3A_52 : memref<1x256xi32, #tpu.memory_space<vmem>> -> memref<256xi32, #tpu.memory_space<vmem>>
        %dma_wait3A_54 = arith.constant 0 : i32
        %dma_wait3A_55 = arith.constant 0 : i32
        %dma_wait3A_56 = tpu.memref_slice %arg10[%dma_wait3A_54, %dma_wait3A_55] : memref<10240x64xbf16, #tpu.memory_space<vmem_shared>> -> memref<10240x64xbf16, #tpu.memory_space<vmem_shared>>
        tpu.wait_indirect_dma semaphore(%run_scoped3A : memref<!tpu.dma_semaphore, #tpu.memory_space<semaphore_mem>>) src(%arg8 : memref<256x64xbf16, #tpu.memory_space<vmem>>) dst(%dma_wait3A_56 : memref<10240x64xbf16, #tpu.memory_space<vmem_shared>>)
        tpu.yield
      }) : () -> ()
    }
    %scan3A_28 = arith.constant 79 : i32
    %barrier3A_29 = arith.constant 0 : index
    tpu.barrier barrier_id(%barrier3A_29)
    "tpu.region"() ({
      %run_scoped3A = tpu.sem_alloc : memref<!tpu.dma_semaphore, #tpu.memory_space<semaphore_mem>>
      %dma_start3A = arith.constant 0 : i32
      %dma_start3A_30 = tpu.memref_slice %arg5[%arg0, %mul3A_4, %dma_start3A] : memref<2x10240x64xbf16, #tpu.memory_space<hbm>> -> memref<1x640x64xbf16, #tpu.memory_space<hbm>>
      %dma_start3A_31 = tpu.memref_squeeze %dma_start3A_30 : memref<1x640x64xbf16, #tpu.memory_space<hbm>> -> memref<640x64xbf16, #tpu.memory_space<hbm>>
      %dma_start3A_32 = arith.constant 0 : i32
      %dma_start3A_33 = tpu.memref_slice %arg10[%mul3A_4, %dma_start3A_32] : memref<10240x64xbf16, #tpu.memory_space<vmem_shared>> -> memref<640x64xbf16, #tpu.memory_space<vmem_shared>>
      tpu.enqueue_dma source(%dma_start3A_33 : memref<640x64xbf16, #tpu.memory_space<vmem_shared>>) target(%dma_start3A_31 : memref<640x64xbf16, #tpu.memory_space<hbm>>) target_semaphore(%run_scoped3A : memref<!tpu.dma_semaphore, #tpu.memory_space<semaphore_mem>>)
      %dma_wait3A = arith.constant 0 : i32
      %dma_wait3A_34 = tpu.memref_slice %arg5[%arg0, %mul3A_4, %dma_wait3A] : memref<2x10240x64xbf16, #tpu.memory_space<hbm>> -> memref<1x640x64xbf16, #tpu.memory_space<hbm>>
      %dma_wait3A_35 = tpu.memref_squeeze %dma_wait3A_34 : memref<1x640x64xbf16, #tpu.memory_space<hbm>> -> memref<640x64xbf16, #tpu.memory_space<hbm>>
      %dma_wait3A_36 = arith.constant 0 : i32
      %dma_wait3A_37 = tpu.memref_slice %arg10[%mul3A_4, %dma_wait3A_36] : memref<10240x64xbf16, #tpu.memory_space<vmem_shared>> -> memref<640x64xbf16, #tpu.memory_space<vmem_shared>>
      tpu.wait_dma2 semaphore(%run_scoped3A : memref<!tpu.dma_semaphore, #tpu.memory_space<semaphore_mem>>) src(%dma_wait3A_37 : memref<640x64xbf16, #tpu.memory_space<vmem_shared>>) dst(%dma_wait3A_35 : memref<640x64xbf16, #tpu.memory_space<hbm>>)
      tpu.yield
    }) : () -> ()
    return
  }
}

#map = affine_map<(d0, d1) -> (0, 0)>
#map1 = affine_map<(d0, d1) -> (0, 0, 0, 0)>
#map2 = affine_map<(d0, d1) -> (0, 0, 0)>
module attributes {stable_mosaic.version = 14 : i64} {
  func.func @_scatter_body(%arg0: i32, %arg1: i32, %arg2: memref<20000x64xbf16, #tpu.memory_space<hbm>>, %arg3: memref<2x16x79x256xi32, #tpu.memory_space<hbm>>, %arg4: memref<16x79x256xi32, #tpu.memory_space<hbm>>, %arg5: memref<2x10240x64xbf16, #tpu.memory_space<hbm>>, %arg6: memref<79x256xi32, #tpu.memory_space<vmem>>, %arg7: memref<79x256xi32, #tpu.memory_space<vmem>>, %arg8: memref<256x64xbf16, #tpu.memory_space<vmem>>, %arg9: memref<64x64xbf16, #tpu.memory_space<vmem>>, %arg10: memref<10240x64xbf16, #tpu.memory_space<vmem_shared>>, %arg11: memref<!tpu.dma_semaphore, #tpu.memory_space<semaphore_mem>>) attributes {dimension_semantics = [#tpu.dimension_semantics<core_parallel>, #tpu.dimension_semantics<subcore_parallel>], iteration_bounds = array<i64: 2, 16>, scalar_prefetch = 0 : i64, scratch_operands = 6 : i64, tpu.core_type = #tpu.core_type<sc_vector_subcore>, window_params = [{transform_indices = #map}, {transform_indices = #map1}, {transform_indices = #map2}, {transform_indices = #map2}]} {
    %scan3A = arith.constant 0 : i32
    %scan3A_0 = arith.constant 64 : i32
    %scan3A_1 = arith.addi %scan3A, %scan3A_0 : i32
    %scan3A_2 = arith.constant 1 : i32
    scf.for %scan3A_30 = %scan3A to %scan3A_1 step %scan3A_2  : i32 {
      %mul3A_31 = arith.constant 1 : i32
      %mul3A_32 = arith.muli %scan3A_30, %mul3A_31 : i32
      %add3A_33 = arith.constant 0 : i32
      %add3A_34 = arith.addi %add3A_33, %mul3A_32 : i32
      %broadcast_in_dim3A = arith.constant 0.000000e+00 : bf16
      %broadcast_in_dim3A_35 = vector.broadcast %broadcast_in_dim3A : bf16 to vector<32xbf16>
      %swap3A = arith.index_cast %add3A_34 : i32 to index
      %swap3A_36 = arith.constant 0 : index
      %swap3A_37 = tpu.vector_load %arg9[%swap3A, %swap3A_36] {strides = array<i32>} : memref<64x64xbf16, #tpu.memory_space<vmem>>, vector<1x32xbf16>,
      %swap3A_38 = vector.shape_cast %swap3A_37 : vector<1x32xbf16> to vector<32xbf16>
      %swap3A_39 = vector.shape_cast %broadcast_in_dim3A_35 : vector<32xbf16> to vector<1x32xbf16>
      tpu.vector_store %arg9[%swap3A, %swap3A_36], %swap3A_39 {strides = array<i32>} : memref<64x64xbf16, #tpu.memory_space<vmem>>, vector<1x32xbf16>,
      %broadcast_in_dim3A_40 = arith.constant 0.000000e+00 : bf16
      %broadcast_in_dim3A_41 = vector.broadcast %broadcast_in_dim3A_40 : bf16 to vector<32xbf16>
      %swap3A_42 = arith.index_cast %add3A_34 : i32 to index
      %swap3A_43 = arith.constant 32 : index
      %swap3A_44 = tpu.vector_load %arg9[%swap3A_42, %swap3A_43] {strides = array<i32>} : memref<64x64xbf16, #tpu.memory_space<vmem>>, vector<1x32xbf16>,
      %swap3A_45 = vector.shape_cast %swap3A_44 : vector<1x32xbf16> to vector<32xbf16>
      %swap3A_46 = vector.shape_cast %broadcast_in_dim3A_41 : vector<32xbf16> to vector<1x32xbf16>
      tpu.vector_store %arg9[%swap3A_42, %swap3A_43], %swap3A_46 {strides = array<i32>} : memref<64x64xbf16, #tpu.memory_space<vmem>>, vector<1x32xbf16>,
    }
    %scan3A_3 = arith.constant 64 : i32
    %mul3A = arith.constant 640 : i32
    %mul3A_4 = arith.muli %arg1, %mul3A : i32
    %add3A = arith.constant 0 : i32
    %add3A_5 = arith.addi %mul3A_4, %add3A : i32
    "tpu.region"() ({
      %run_scoped3A = tpu.sem_alloc : memref<!tpu.dma_semaphore, #tpu.memory_space<semaphore_mem>>
      %dma_start3A = arith.constant 0 : i32
      %dma_start3A_30 = tpu.memref_slice %arg10[%add3A_5, %dma_start3A] : memref<10240x64xbf16, #tpu.memory_space<vmem_shared>> -> memref<64x64xbf16, #tpu.memory_space<vmem_shared>>
      %dma_start3A_31 = arith.constant 0 : i32
      %dma_start3A_32 = tpu.memref_slice %arg10[%add3A_5, %dma_start3A_31] : memref<10240x64xbf16, #tpu.memory_space<vmem_shared>> -> memref<64x64xbf16, #tpu.memory_space<vmem_shared>>
      tpu.enqueue_dma source(%arg9 : memref<64x64xbf16, #tpu.memory_space<vmem>>) target(%dma_start3A_32 : memref<64x64xbf16, #tpu.memory_space<vmem_shared>>) target_semaphore(%run_scoped3A : memref<!tpu.dma_semaphore, #tpu.memory_space<semaphore_mem>>)
      %dma_wait3A = arith.constant 0 : i32
      %dma_wait3A_33 = tpu.memref_slice %arg10[%add3A_5, %dma_wait3A] : memref<10240x64xbf16, #tpu.memory_space<vmem_shared>> -> memref<64x64xbf16, #tpu.memory_space<vmem_shared>>
      %dma_wait3A_34 = arith.constant 0 : i32
      %dma_wait3A_35 = tpu.memref_slice %arg10[%add3A_5, %dma_wait3A_34] : memref<10240x64xbf16, #tpu.memory_space<vmem_shared>> -> memref<64x64xbf16, #tpu.memory_space<vmem_shared>>
      tpu.wait_dma2 semaphore(%run_scoped3A : memref<!tpu.dma_semaphore, #tpu.memory_space<semaphore_mem>>) src(%arg9 : memref<64x64xbf16, #tpu.memory_space<vmem>>) dst(%dma_wait3A_35 : memref<64x64xbf16, #tpu.memory_space<vmem_shared>>)
      tpu.yield
    }) : () -> ()
    %add3A_6 = arith.constant 64 : i32
    %add3A_7 = arith.addi %mul3A_4, %add3A_6 : i32
    "tpu.region"() ({
      %run_scoped3A = tpu.sem_alloc : memref<!tpu.dma_semaphore, #tpu.memory_space<semaphore_mem>>
      %dma_start3A = arith.constant 0 : i32
      %dma_start3A_30 = tpu.memref_slice %arg10[%add3A_7, %dma_start3A] : memref<10240x64xbf16, #tpu.memory_space<vmem_shared>> -> memref<64x64xbf16, #tpu.memory_space<vmem_shared>>
      %dma_start3A_31 = arith.constant 0 : i32
      %dma_start3A_32 = tpu.memref_slice %arg10[%add3A_7, %dma_start3A_31] : memref<10240x64xbf16, #tpu.memory_space<vmem_shared>> -> memref<64x64xbf16, #tpu.memory_space<vmem_shared>>
      tpu.enqueue_dma source(%arg9 : memref<64x64xbf16, #tpu.memory_space<vmem>>) target(%dma_start3A_32 : memref<64x64xbf16, #tpu.memory_space<vmem_shared>>) target_semaphore(%run_scoped3A : memref<!tpu.dma_semaphore, #tpu.memory_space<semaphore_mem>>)
      %dma_wait3A = arith.constant 0 : i32
      %dma_wait3A_33 = tpu.memref_slice %arg10[%add3A_7, %dma_wait3A] : memref<10240x64xbf16, #tpu.memory_space<vmem_shared>> -> memref<64x64xbf16, #tpu.memory_space<vmem_shared>>
      %dma_wait3A_34 = arith.constant 0 : i32
      %dma_wait3A_35 = tpu.memref_slice %arg10[%add3A_7, %dma_wait3A_34] : memref<10240x64xbf16, #tpu.memory_space<vmem_shared>> -> memref<64x64xbf16, #tpu.memory_space<vmem_shared>>
      tpu.wait_dma2 semaphore(%run_scoped3A : memref<!tpu.dma_semaphore, #tpu.memory_space<semaphore_mem>>) src(%arg9 : memref<64x64xbf16, #tpu.memory_space<vmem>>) dst(%dma_wait3A_35 : memref<64x64xbf16, #tpu.memory_space<vmem_shared>>)
      tpu.yield
    }) : () -> ()
    %add3A_8 = arith.constant 128 : i32
    %add3A_9 = arith.addi %mul3A_4, %add3A_8 : i32
    "tpu.region"() ({
      %run_scoped3A = tpu.sem_alloc : memref<!tpu.dma_semaphore, #tpu.memory_space<semaphore_mem>>
      %dma_start3A = arith.constant 0 : i32
      %dma_start3A_30 = tpu.memref_slice %arg10[%add3A_9, %dma_start3A] : memref<10240x64xbf16, #tpu.memory_space<vmem_shared>> -> memref<64x64xbf16, #tpu.memory_space<vmem_shared>>
      %dma_start3A_31 = arith.constant 0 : i32
      %dma_start3A_32 = tpu.memref_slice %arg10[%add3A_9, %dma_start3A_31] : memref<10240x64xbf16, #tpu.memory_space<vmem_shared>> -> memref<64x64xbf16, #tpu.memory_space<vmem_shared>>
      tpu.enqueue_dma source(%arg9 : memref<64x64xbf16, #tpu.memory_space<vmem>>) target(%dma_start3A_32 : memref<64x64xbf16, #tpu.memory_space<vmem_shared>>) target_semaphore(%run_scoped3A : memref<!tpu.dma_semaphore, #tpu.memory_space<semaphore_mem>>)
      %dma_wait3A = arith.constant 0 : i32
      %dma_wait3A_33 = tpu.memref_slice %arg10[%add3A_9, %dma_wait3A] : memref<10240x64xbf16, #tpu.memory_space<vmem_shared>> -> memref<64x64xbf16, #tpu.memory_space<vmem_shared>>
      %dma_wait3A_34 = arith.constant 0 : i32
      %dma_wait3A_35 = tpu.memref_slice %arg10[%add3A_9, %dma_wait3A_34] : memref<10240x64xbf16, #tpu.memory_space<vmem_shared>> -> memref<64x64xbf16, #tpu.memory_space<vmem_shared>>
      tpu.wait_dma2 semaphore(%run_scoped3A : memref<!tpu.dma_semaphore, #tpu.memory_space<semaphore_mem>>) src(%arg9 : memref<64x64xbf16, #tpu.memory_space<vmem>>) dst(%dma_wait3A_35 : memref<64x64xbf16, #tpu.memory_space<vmem_shared>>)
      tpu.yield
    }) : () -> ()
    %add3A_10 = arith.constant 192 : i32
    %add3A_11 = arith.addi %mul3A_4, %add3A_10 : i32
    "tpu.region"() ({
      %run_scoped3A = tpu.sem_alloc : memref<!tpu.dma_semaphore, #tpu.memory_space<semaphore_mem>>
      %dma_start3A = arith.constant 0 : i32
      %dma_start3A_30 = tpu.memref_slice %arg10[%add3A_11, %dma_start3A] : memref<10240x64xbf16, #tpu.memory_space<vmem_shared>> -> memref<64x64xbf16, #tpu.memory_space<vmem_shared>>
      %dma_start3A_31 = arith.constant 0 : i32
      %dma_start3A_32 = tpu.memref_slice %arg10[%add3A_11, %dma_start3A_31] : memref<10240x64xbf16, #tpu.memory_space<vmem_shared>> -> memref<64x64xbf16, #tpu.memory_space<vmem_shared>>
      tpu.enqueue_dma source(%arg9 : memref<64x64xbf16, #tpu.memory_space<vmem>>) target(%dma_start3A_32 : memref<64x64xbf16, #tpu.memory_space<vmem_shared>>) target_semaphore(%run_scoped3A : memref<!tpu.dma_semaphore, #tpu.memory_space<semaphore_mem>>)
      %dma_wait3A = arith.constant 0 : i32
      %dma_wait3A_33 = tpu.memref_slice %arg10[%add3A_11, %dma_wait3A] : memref<10240x64xbf16, #tpu.memory_space<vmem_shared>> -> memref<64x64xbf16, #tpu.memory_space<vmem_shared>>
      %dma_wait3A_34 = arith.constant 0 : i32
      %dma_wait3A_35 = tpu.memref_slice %arg10[%add3A_11, %dma_wait3A_34] : memref<10240x64xbf16, #tpu.memory_space<vmem_shared>> -> memref<64x64xbf16, #tpu.memory_space<vmem_shared>>
      tpu.wait_dma2 semaphore(%run_scoped3A : memref<!tpu.dma_semaphore, #tpu.memory_space<semaphore_mem>>) src(%arg9 : memref<64x64xbf16, #tpu.memory_space<vmem>>) dst(%dma_wait3A_35 : memref<64x64xbf16, #tpu.memory_space<vmem_shared>>)
      tpu.yield
    }) : () -> ()
    %add3A_12 = arith.constant 256 : i32
    %add3A_13 = arith.addi %mul3A_4, %add3A_12 : i32
    "tpu.region"() ({
      %run_scoped3A = tpu.sem_alloc : memref<!tpu.dma_semaphore, #tpu.memory_space<semaphore_mem>>
      %dma_start3A = arith.constant 0 : i32
      %dma_start3A_30 = tpu.memref_slice %arg10[%add3A_13, %dma_start3A] : memref<10240x64xbf16, #tpu.memory_space<vmem_shared>> -> memref<64x64xbf16, #tpu.memory_space<vmem_shared>>
      %dma_start3A_31 = arith.constant 0 : i32
      %dma_start3A_32 = tpu.memref_slice %arg10[%add3A_13, %dma_start3A_31] : memref<10240x64xbf16, #tpu.memory_space<vmem_shared>> -> memref<64x64xbf16, #tpu.memory_space<vmem_shared>>
      tpu.enqueue_dma source(%arg9 : memref<64x64xbf16, #tpu.memory_space<vmem>>) target(%dma_start3A_32 : memref<64x64xbf16, #tpu.memory_space<vmem_shared>>) target_semaphore(%run_scoped3A : memref<!tpu.dma_semaphore, #tpu.memory_space<semaphore_mem>>)
      %dma_wait3A = arith.constant 0 : i32
      %dma_wait3A_33 = tpu.memref_slice %arg10[%add3A_13, %dma_wait3A] : memref<10240x64xbf16, #tpu.memory_space<vmem_shared>> -> memref<64x64xbf16, #tpu.memory_space<vmem_shared>>
      %dma_wait3A_34 = arith.constant 0 : i32
      %dma_wait3A_35 = tpu.memref_slice %arg10[%add3A_13, %dma_wait3A_34] : memref<10240x64xbf16, #tpu.memory_space<vmem_shared>> -> memref<64x64xbf16, #tpu.memory_space<vmem_shared>>
      tpu.wait_dma2 semaphore(%run_scoped3A : memref<!tpu.dma_semaphore, #tpu.memory_space<semaphore_mem>>) src(%arg9 : memref<64x64xbf16, #tpu.memory_space<vmem>>) dst(%dma_wait3A_35 : memref<64x64xbf16, #tpu.memory_space<vmem_shared>>)
      tpu.yield
    }) : () -> ()
    %add3A_14 = arith.constant 320 : i32
    %add3A_15 = arith.addi %mul3A_4, %add3A_14 : i32
    "tpu.region"() ({
      %run_scoped3A = tpu.sem_alloc : memref<!tpu.dma_semaphore, #tpu.memory_space<semaphore_mem>>
      %dma_start3A = arith.constant 0 : i32
      %dma_start3A_30 = tpu.memref_slice %arg10[%add3A_15, %dma_start3A] : memref<10240x64xbf16, #tpu.memory_space<vmem_shared>> -> memref<64x64xbf16, #tpu.memory_space<vmem_shared>>
      %dma_start3A_31 = arith.constant 0 : i32
      %dma_start3A_32 = tpu.memref_slice %arg10[%add3A_15, %dma_start3A_31] : memref<10240x64xbf16, #tpu.memory_space<vmem_shared>> -> memref<64x64xbf16, #tpu.memory_space<vmem_shared>>
      tpu.enqueue_dma source(%arg9 : memref<64x64xbf16, #tpu.memory_space<vmem>>) target(%dma_start3A_32 : memref<64x64xbf16, #tpu.memory_space<vmem_shared>>) target_semaphore(%run_scoped3A : memref<!tpu.dma_semaphore, #tpu.memory_space<semaphore_mem>>)
      %dma_wait3A = arith.constant 0 : i32
      %dma_wait3A_33 = tpu.memref_slice %arg10[%add3A_15, %dma_wait3A] : memref<10240x64xbf16, #tpu.memory_space<vmem_shared>> -> memref<64x64xbf16, #tpu.memory_space<vmem_shared>>
      %dma_wait3A_34 = arith.constant 0 : i32
      %dma_wait3A_35 = tpu.memref_slice %arg10[%add3A_15, %dma_wait3A_34] : memref<10240x64xbf16, #tpu.memory_space<vmem_shared>> -> memref<64x64xbf16, #tpu.memory_space<vmem_shared>>
      tpu.wait_dma2 semaphore(%run_scoped3A : memref<!tpu.dma_semaphore, #tpu.memory_space<semaphore_mem>>) src(%arg9 : memref<64x64xbf16, #tpu.memory_space<vmem>>) dst(%dma_wait3A_35 : memref<64x64xbf16, #tpu.memory_space<vmem_shared>>)
      tpu.yield
    }) : () -> ()
    %add3A_16 = arith.constant 384 : i32
    %add3A_17 = arith.addi %mul3A_4, %add3A_16 : i32
    "tpu.region"() ({
      %run_scoped3A = tpu.sem_alloc : memref<!tpu.dma_semaphore, #tpu.memory_space<semaphore_mem>>
      %dma_start3A = arith.constant 0 : i32
      %dma_start3A_30 = tpu.memref_slice %arg10[%add3A_17, %dma_start3A] : memref<10240x64xbf16, #tpu.memory_space<vmem_shared>> -> memref<64x64xbf16, #tpu.memory_space<vmem_shared>>
      %dma_start3A_31 = arith.constant 0 : i32
      %dma_start3A_32 = tpu.memref_slice %arg10[%add3A_17, %dma_start3A_31] : memref<10240x64xbf16, #tpu.memory_space<vmem_shared>> -> memref<64x64xbf16, #tpu.memory_space<vmem_shared>>
      tpu.enqueue_dma source(%arg9 : memref<64x64xbf16, #tpu.memory_space<vmem>>) target(%dma_start3A_32 : memref<64x64xbf16, #tpu.memory_space<vmem_shared>>) target_semaphore(%run_scoped3A : memref<!tpu.dma_semaphore, #tpu.memory_space<semaphore_mem>>)
      %dma_wait3A = arith.constant 0 : i32
      %dma_wait3A_33 = tpu.memref_slice %arg10[%add3A_17, %dma_wait3A] : memref<10240x64xbf16, #tpu.memory_space<vmem_shared>> -> memref<64x64xbf16, #tpu.memory_space<vmem_shared>>
      %dma_wait3A_34 = arith.constant 0 : i32
      %dma_wait3A_35 = tpu.memref_slice %arg10[%add3A_17, %dma_wait3A_34] : memref<10240x64xbf16, #tpu.memory_space<vmem_shared>> -> memref<64x64xbf16, #tpu.memory_space<vmem_shared>>
      tpu.wait_dma2 semaphore(%run_scoped3A : memref<!tpu.dma_semaphore, #tpu.memory_space<semaphore_mem>>) src(%arg9 : memref<64x64xbf16, #tpu.memory_space<vmem>>) dst(%dma_wait3A_35 : memref<64x64xbf16, #tpu.memory_space<vmem_shared>>)
      tpu.yield
    }) : () -> ()
    %add3A_18 = arith.constant 448 : i32
    %add3A_19 = arith.addi %mul3A_4, %add3A_18 : i32
    "tpu.region"() ({
      %run_scoped3A = tpu.sem_alloc : memref<!tpu.dma_semaphore, #tpu.memory_space<semaphore_mem>>
      %dma_start3A = arith.constant 0 : i32
      %dma_start3A_30 = tpu.memref_slice %arg10[%add3A_19, %dma_start3A] : memref<10240x64xbf16, #tpu.memory_space<vmem_shared>> -> memref<64x64xbf16, #tpu.memory_space<vmem_shared>>
      %dma_start3A_31 = arith.constant 0 : i32
      %dma_start3A_32 = tpu.memref_slice %arg10[%add3A_19, %dma_start3A_31] : memref<10240x64xbf16, #tpu.memory_space<vmem_shared>> -> memref<64x64xbf16, #tpu.memory_space<vmem_shared>>
      tpu.enqueue_dma source(%arg9 : memref<64x64xbf16, #tpu.memory_space<vmem>>) target(%dma_start3A_32 : memref<64x64xbf16, #tpu.memory_space<vmem_shared>>) target_semaphore(%run_scoped3A : memref<!tpu.dma_semaphore, #tpu.memory_space<semaphore_mem>>)
      %dma_wait3A = arith.constant 0 : i32
      %dma_wait3A_33 = tpu.memref_slice %arg10[%add3A_19, %dma_wait3A] : memref<10240x64xbf16, #tpu.memory_space<vmem_shared>> -> memref<64x64xbf16, #tpu.memory_space<vmem_shared>>
      %dma_wait3A_34 = arith.constant 0 : i32
      %dma_wait3A_35 = tpu.memref_slice %arg10[%add3A_19, %dma_wait3A_34] : memref<10240x64xbf16, #tpu.memory_space<vmem_shared>> -> memref<64x64xbf16, #tpu.memory_space<vmem_shared>>
      tpu.wait_dma2 semaphore(%run_scoped3A : memref<!tpu.dma_semaphore, #tpu.memory_space<semaphore_mem>>) src(%arg9 : memref<64x64xbf16, #tpu.memory_space<vmem>>) dst(%dma_wait3A_35 : memref<64x64xbf16, #tpu.memory_space<vmem_shared>>)
      tpu.yield
    }) : () -> ()
    %add3A_20 = arith.constant 512 : i32
    %add3A_21 = arith.addi %mul3A_4, %add3A_20 : i32
    "tpu.region"() ({
      %run_scoped3A = tpu.sem_alloc : memref<!tpu.dma_semaphore, #tpu.memory_space<semaphore_mem>>
      %dma_start3A = arith.constant 0 : i32
      %dma_start3A_30 = tpu.memref_slice %arg10[%add3A_21, %dma_start3A] : memref<10240x64xbf16, #tpu.memory_space<vmem_shared>> -> memref<64x64xbf16, #tpu.memory_space<vmem_shared>>
      %dma_start3A_31 = arith.constant 0 : i32
      %dma_start3A_32 = tpu.memref_slice %arg10[%add3A_21, %dma_start3A_31] : memref<10240x64xbf16, #tpu.memory_space<vmem_shared>> -> memref<64x64xbf16, #tpu.memory_space<vmem_shared>>
      tpu.enqueue_dma source(%arg9 : memref<64x64xbf16, #tpu.memory_space<vmem>>) target(%dma_start3A_32 : memref<64x64xbf16, #tpu.memory_space<vmem_shared>>) target_semaphore(%run_scoped3A : memref<!tpu.dma_semaphore, #tpu.memory_space<semaphore_mem>>)
      %dma_wait3A = arith.constant 0 : i32
      %dma_wait3A_33 = tpu.memref_slice %arg10[%add3A_21, %dma_wait3A] : memref<10240x64xbf16, #tpu.memory_space<vmem_shared>> -> memref<64x64xbf16, #tpu.memory_space<vmem_shared>>
      %dma_wait3A_34 = arith.constant 0 : i32
      %dma_wait3A_35 = tpu.memref_slice %arg10[%add3A_21, %dma_wait3A_34] : memref<10240x64xbf16, #tpu.memory_space<vmem_shared>> -> memref<64x64xbf16, #tpu.memory_space<vmem_shared>>
      tpu.wait_dma2 semaphore(%run_scoped3A : memref<!tpu.dma_semaphore, #tpu.memory_space<semaphore_mem>>) src(%arg9 : memref<64x64xbf16, #tpu.memory_space<vmem>>) dst(%dma_wait3A_35 : memref<64x64xbf16, #tpu.memory_space<vmem_shared>>)
      tpu.yield
    }) : () -> ()
    %add3A_22 = arith.constant 576 : i32
    %add3A_23 = arith.addi %mul3A_4, %add3A_22 : i32
    "tpu.region"() ({
      %run_scoped3A = tpu.sem_alloc : memref<!tpu.dma_semaphore, #tpu.memory_space<semaphore_mem>>
      %dma_start3A = arith.constant 0 : i32
      %dma_start3A_30 = tpu.memref_slice %arg10[%add3A_23, %dma_start3A] : memref<10240x64xbf16, #tpu.memory_space<vmem_shared>> -> memref<64x64xbf16, #tpu.memory_space<vmem_shared>>
      %dma_start3A_31 = arith.constant 0 : i32
      %dma_start3A_32 = tpu.memref_slice %arg10[%add3A_23, %dma_start3A_31] : memref<10240x64xbf16, #tpu.memory_space<vmem_shared>> -> memref<64x64xbf16, #tpu.memory_space<vmem_shared>>
      tpu.enqueue_dma source(%arg9 : memref<64x64xbf16, #tpu.memory_space<vmem>>) target(%dma_start3A_32 : memref<64x64xbf16, #tpu.memory_space<vmem_shared>>) target_semaphore(%run_scoped3A : memref<!tpu.dma_semaphore, #tpu.memory_space<semaphore_mem>>)
      %dma_wait3A = arith.constant 0 : i32
      %dma_wait3A_33 = tpu.memref_slice %arg10[%add3A_23, %dma_wait3A] : memref<10240x64xbf16, #tpu.memory_space<vmem_shared>> -> memref<64x64xbf16, #tpu.memory_space<vmem_shared>>
      %dma_wait3A_34 = arith.constant 0 : i32
      %dma_wait3A_35 = tpu.memref_slice %arg10[%add3A_23, %dma_wait3A_34] : memref<10240x64xbf16, #tpu.memory_space<vmem_shared>> -> memref<64x64xbf16, #tpu.memory_space<vmem_shared>>
      tpu.wait_dma2 semaphore(%run_scoped3A : memref<!tpu.dma_semaphore, #tpu.memory_space<semaphore_mem>>) src(%arg9 : memref<64x64xbf16, #tpu.memory_space<vmem>>) dst(%dma_wait3A_35 : memref<64x64xbf16, #tpu.memory_space<vmem_shared>>)
      tpu.yield
    }) : () -> ()
    "tpu.region"() ({
      %run_scoped3A = tpu.sem_alloc : memref<!tpu.dma_semaphore, #tpu.memory_space<semaphore_mem>>
      %dma_start3A = arith.constant 0 : i32
      %dma_start3A_30 = arith.constant 0 : i32
      %dma_start3A_31 = tpu.memref_slice %arg3[%arg0, %arg1, %dma_start3A, %dma_start3A_30] : memref<2x16x79x256xi32, #tpu.memory_space<hbm>> -> memref<1x1x79x256xi32, #tpu.memory_space<hbm>>
      %dma_start3A_32 = tpu.memref_squeeze %dma_start3A_31 : memref<1x1x79x256xi32, #tpu.memory_space<hbm>> -> memref<79x256xi32, #tpu.memory_space<hbm>>
      %dma_start3A_33 = arith.constant 0 : i32
      %dma_start3A_34 = arith.constant 0 : i32
      %dma_start3A_35 = tpu.memref_slice %arg3[%arg0, %arg1, %dma_start3A_33, %dma_start3A_34] : memref<2x16x79x256xi32, #tpu.memory_space<hbm>> -> memref<1x1x79x256xi32, #tpu.memory_space<hbm>>
      %dma_start3A_36 = tpu.memref_squeeze %dma_start3A_35 : memref<1x1x79x256xi32, #tpu.memory_space<hbm>> -> memref<79x256xi32, #tpu.memory_space<hbm>>
      tpu.enqueue_dma source(%dma_start3A_36 : memref<79x256xi32, #tpu.memory_space<hbm>>) target(%arg6 : memref<79x256xi32, #tpu.memory_space<vmem>>) target_semaphore(%run_scoped3A : memref<!tpu.dma_semaphore, #tpu.memory_space<semaphore_mem>>)
      %dma_wait3A = arith.constant 0 : i32
      %dma_wait3A_37 = arith.constant 0 : i32
      %dma_wait3A_38 = tpu.memref_slice %arg3[%arg0, %arg1, %dma_wait3A, %dma_wait3A_37] : memref<2x16x79x256xi32, #tpu.memory_space<hbm>> -> memref<1x1x79x256xi32, #tpu.memory_space<hbm>>
      %dma_wait3A_39 = tpu.memref_squeeze %dma_wait3A_38 : memref<1x1x79x256xi32, #tpu.memory_space<hbm>> -> memref<79x256xi32, #tpu.memory_space<hbm>>
      %dma_wait3A_40 = arith.constant 0 : i32
      %dma_wait3A_41 = arith.constant 0 : i32
      %dma_wait3A_42 = tpu.memref_slice %arg3[%arg0, %arg1, %dma_wait3A_40, %dma_wait3A_41] : memref<2x16x79x256xi32, #tpu.memory_space<hbm>> -> memref<1x1x79x256xi32, #tpu.memory_space<hbm>>
      %dma_wait3A_43 = tpu.memref_squeeze %dma_wait3A_42 : memref<1x1x79x256xi32, #tpu.memory_space<hbm>> -> memref<79x256xi32, #tpu.memory_space<hbm>>
      tpu.wait_dma2 semaphore(%run_scoped3A : memref<!tpu.dma_semaphore, #tpu.memory_space<semaphore_mem>>) src(%dma_wait3A_43 : memref<79x256xi32, #tpu.memory_space<hbm>>) dst(%arg6 : memref<79x256xi32, #tpu.memory_space<vmem>>)
      tpu.yield
    }) : () -> ()
    "tpu.region"() ({
      %run_scoped3A = tpu.sem_alloc : memref<!tpu.dma_semaphore, #tpu.memory_space<semaphore_mem>>
      %dma_start3A = arith.constant 0 : i32
      %dma_start3A_30 = arith.constant 0 : i32
      %dma_start3A_31 = tpu.memref_slice %arg4[%arg1, %dma_start3A, %dma_start3A_30] : memref<16x79x256xi32, #tpu.memory_space<hbm>> -> memref<1x79x256xi32, #tpu.memory_space<hbm>>
      %dma_start3A_32 = tpu.memref_squeeze %dma_start3A_31 : memref<1x79x256xi32, #tpu.memory_space<hbm>> -> memref<79x256xi32, #tpu.memory_space<hbm>>
      %dma_start3A_33 = arith.constant 0 : i32
      %dma_start3A_34 = arith.constant 0 : i32
      %dma_start3A_35 = tpu.memref_slice %arg4[%arg1, %dma_start3A_33, %dma_start3A_34] : memref<16x79x256xi32, #tpu.memory_space<hbm>> -> memref<1x79x256xi32, #tpu.memory_space<hbm>>
      %dma_start3A_36 = tpu.memref_squeeze %dma_start3A_35 : memref<1x79x256xi32, #tpu.memory_space<hbm>> -> memref<79x256xi32, #tpu.memory_space<hbm>>
      tpu.enqueue_dma source(%dma_start3A_36 : memref<79x256xi32, #tpu.memory_space<hbm>>) target(%arg7 : memref<79x256xi32, #tpu.memory_space<vmem>>) target_semaphore(%run_scoped3A : memref<!tpu.dma_semaphore, #tpu.memory_space<semaphore_mem>>)
      %dma_wait3A = arith.constant 0 : i32
      %dma_wait3A_37 = arith.constant 0 : i32
      %dma_wait3A_38 = tpu.memref_slice %arg4[%arg1, %dma_wait3A, %dma_wait3A_37] : memref<16x79x256xi32, #tpu.memory_space<hbm>> -> memref<1x79x256xi32, #tpu.memory_space<hbm>>
      %dma_wait3A_39 = tpu.memref_squeeze %dma_wait3A_38 : memref<1x79x256xi32, #tpu.memory_space<hbm>> -> memref<79x256xi32, #tpu.memory_space<hbm>>
      %dma_wait3A_40 = arith.constant 0 : i32
      %dma_wait3A_41 = arith.constant 0 : i32
      %dma_wait3A_42 = tpu.memref_slice %arg4[%arg1, %dma_wait3A_40, %dma_wait3A_41] : memref<16x79x256xi32, #tpu.memory_space<hbm>> -> memref<1x79x256xi32, #tpu.memory_space<hbm>>
      %dma_wait3A_43 = tpu.memref_squeeze %dma_wait3A_42 : memref<1x79x256xi32, #tpu.memory_space<hbm>> -> memref<79x256xi32, #tpu.memory_space<hbm>>
      tpu.wait_dma2 semaphore(%run_scoped3A : memref<!tpu.dma_semaphore, #tpu.memory_space<semaphore_mem>>) src(%dma_wait3A_43 : memref<79x256xi32, #tpu.memory_space<hbm>>) dst(%arg7 : memref<79x256xi32, #tpu.memory_space<vmem>>)
      tpu.yield
    }) : () -> ()
    %barrier3A = arith.constant 0 : index
    tpu.barrier barrier_id(%barrier3A)
    %scan3A_24 = arith.constant 0 : i32
    %scan3A_25 = arith.constant 79 : i32
    %scan3A_26 = arith.addi %scan3A_24, %scan3A_25 : i32
    %scan3A_27 = arith.constant 1 : i32
    scf.for %scan3A_30 = %scan3A_24 to %scan3A_26 step %scan3A_27  : i32 {
      %mul3A_31 = arith.constant 1 : i32
      %mul3A_32 = arith.muli %scan3A_30, %mul3A_31 : i32
      %add3A_33 = arith.constant 0 : i32
      %add3A_34 = arith.addi %add3A_33, %mul3A_32 : i32
      %dma_start3A = arith.constant 0 : i32
      %dma_start3A_35 = tpu.memref_slice %arg6[%add3A_34, %dma_start3A] : memref<79x256xi32, #tpu.memory_space<vmem>> -> memref<1x256xi32, #tpu.memory_space<vmem>>
      %dma_start3A_36 = tpu.memref_squeeze %dma_start3A_35 : memref<1x256xi32, #tpu.memory_space<vmem>> -> memref<256xi32, #tpu.memory_space<vmem>>
      %dma_start3A_37 = arith.constant 0 : i32
      %dma_start3A_38 = arith.constant 0 : i32
      %dma_start3A_39 = tpu.memref_slice %arg2[%dma_start3A_37, %dma_start3A_38] : memref<20000x64xbf16, #tpu.memory_space<hbm>> -> memref<20000x64xbf16, #tpu.memory_space<hbm>>
      tpu.enqueue_indirect_dma source(%dma_start3A_39 : memref<20000x64xbf16, #tpu.memory_space<hbm>>) target(%arg8 : memref<256x64xbf16, #tpu.memory_space<vmem>>) offsets(%dma_start3A_36 : memref<256xi32, #tpu.memory_space<vmem>>) semaphore(%arg11 : memref<!tpu.dma_semaphore, #tpu.memory_space<semaphore_mem>>)
      %dma_wait3A = arith.constant 0 : i32
      %dma_wait3A_40 = tpu.memref_slice %arg6[%add3A_34, %dma_wait3A] : memref<79x256xi32, #tpu.memory_space<vmem>> -> memref<1x256xi32, #tpu.memory_space<vmem>>
      %dma_wait3A_41 = tpu.memref_squeeze %dma_wait3A_40 : memref<1x256xi32, #tpu.memory_space<vmem>> -> memref<256xi32, #tpu.memory_space<vmem>>
      %dma_wait3A_42 = arith.constant 0 : i32
      %dma_wait3A_43 = arith.constant 0 : i32
      %dma_wait3A_44 = tpu.memref_slice %arg2[%dma_wait3A_42, %dma_wait3A_43] : memref<20000x64xbf16, #tpu.memory_space<hbm>> -> memref<20000x64xbf16, #tpu.memory_space<hbm>>
      tpu.wait_indirect_dma semaphore(%arg11 : memref<!tpu.dma_semaphore, #tpu.memory_space<semaphore_mem>>) src(%dma_wait3A_44 : memref<20000x64xbf16, #tpu.memory_space<hbm>>) dst(%arg8 : memref<256x64xbf16, #tpu.memory_space<vmem>>)
      "tpu.region"() ({
        %run_scoped3A = tpu.sem_alloc : memref<!tpu.dma_semaphore, #tpu.memory_space<semaphore_mem>>
        %dma_start3A_45 = arith.constant 0 : i32
        %dma_start3A_46 = tpu.memref_slice %arg7[%add3A_34, %dma_start3A_45] : memref<79x256xi32, #tpu.memory_space<vmem>> -> memref<1x256xi32, #tpu.memory_space<vmem>>
        %dma_start3A_47 = tpu.memref_squeeze %dma_start3A_46 : memref<1x256xi32, #tpu.memory_space<vmem>> -> memref<256xi32, #tpu.memory_space<vmem>>
        %dma_start3A_48 = arith.constant 0 : i32
        %dma_start3A_49 = arith.constant 0 : i32
        %dma_start3A_50 = tpu.memref_slice %arg10[%dma_start3A_48, %dma_start3A_49] : memref<10240x64xbf16, #tpu.memory_space<vmem_shared>> -> memref<10240x64xbf16, #tpu.memory_space<vmem_shared>>
        tpu.enqueue_indirect_dma source(%arg8 : memref<256x64xbf16, #tpu.memory_space<vmem>>) target(%dma_start3A_50 : memref<10240x64xbf16, #tpu.memory_space<vmem_shared>>) offsets(%dma_start3A_47 : memref<256xi32, #tpu.memory_space<vmem>>) semaphore(%run_scoped3A : memref<!tpu.dma_semaphore, #tpu.memory_space<semaphore_mem>>) {add = true}
        %dma_wait3A_51 = arith.constant 0 : i32
        %dma_wait3A_52 = tpu.memref_slice %arg7[%add3A_34, %dma_wait3A_51] : memref<79x256xi32, #tpu.memory_space<vmem>> -> memref<1x256xi32, #tpu.memory_space<vmem>>
        %dma_wait3A_53 = tpu.memref_squeeze %dma_wait3A_52 : memref<1x256xi32, #tpu.memory_space<vmem>> -> memref<256xi32, #tpu.memory_space<vmem>>
        %dma_wait3A_54 = arith.constant 0 : i32
        %dma_wait3A_55 = arith.constant 0 : i32
        %dma_wait3A_56 = tpu.memref_slice %arg10[%dma_wait3A_54, %dma_wait3A_55] : memref<10240x64xbf16, #tpu.memory_space<vmem_shared>> -> memref<10240x64xbf16, #tpu.memory_space<vmem_shared>>
        tpu.wait_indirect_dma semaphore(%run_scoped3A : memref<!tpu.dma_semaphore, #tpu.memory_space<semaphore_mem>>) src(%arg8 : memref<256x64xbf16, #tpu.memory_space<vmem>>) dst(%dma_wait3A_56 : memref<10240x64xbf16, #tpu.memory_space<vmem_shared>>)
        tpu.yield
      }) : () -> ()
    }
    %scan3A_28 = arith.constant 79 : i32
    %barrier3A_29 = arith.constant 0 : index
    tpu.barrier barrier_id(%barrier3A_29)
    "tpu.region"() ({
      %run_scoped3A = tpu.sem_alloc : memref<!tpu.dma_semaphore, #tpu.memory_space<semaphore_mem>>
      %dma_start3A = arith.constant 0 : i32
      %dma_start3A_30 = tpu.memref_slice %arg5[%arg0, %mul3A_4, %dma_start3A] : memref<2x10240x64xbf16, #tpu.memory_space<hbm>> -> memref<1x640x64xbf16, #tpu.memory_space<hbm>>
      %dma_start3A_31 = tpu.memref_squeeze %dma_start3A_30 : memref<1x640x64xbf16, #tpu.memory_space<hbm>> -> memref<640x64xbf16, #tpu.memory_space<hbm>>
      %dma_start3A_32 = arith.constant 0 : i32
      %dma_start3A_33 = tpu.memref_slice %arg10[%mul3A_4, %dma_start3A_32] : memref<10240x64xbf16, #tpu.memory_space<vmem_shared>> -> memref<640x64xbf16, #tpu.memory_space<vmem_shared>>
      tpu.enqueue_dma source(%dma_start3A_33 : memref<640x64xbf16, #tpu.memory_space<vmem_shared>>) target(%dma_start3A_31 : memref<640x64xbf16, #tpu.memory_space<hbm>>) target_semaphore(%run_scoped3A : memref<!tpu.dma_semaphore, #tpu.memory_space<semaphore_mem>>)
      %dma_wait3A = arith.constant 0 : i32
      %dma_wait3A_34 = tpu.memref_slice %arg5[%arg0, %mul3A_4, %dma_wait3A] : memref<2x10240x64xbf16, #tpu.memory_space<hbm>> -> memref<1x640x64xbf16, #tpu.memory_space<hbm>>
      %dma_wait3A_35 = tpu.memref_squeeze %dma_wait3A_34 : memref<1x640x64xbf16, #tpu.memory_space<hbm>> -> memref<640x64xbf16, #tpu.memory_space<hbm>>
      %dma_wait3A_36 = arith.constant 0 : i32
      %dma_wait3A_37 = tpu.memref_slice %arg10[%mul3A_4, %dma_wait3A_36] : memref<10240x64xbf16, #tpu.memory_space<vmem_shared>> -> memref<640x64xbf16, #tpu.memory_space<vmem_shared>>
      tpu.wait_dma2 semaphore(%run_scoped3A : memref<!tpu.dma_semaphore, #tpu.memory_space<semaphore_mem>>) src(%dma_wait3A_37 : memref<640x64xbf16, #tpu.memory_space<vmem_shared>>) dst(%dma_wait3A_35 : memref<640x64xbf16, #tpu.memory_space<hbm>>)
      tpu.yield
    }) : () -> ()
    return
  }
}

#map = affine_map<(d0, d1) -> (0, 0)>
#map1 = affine_map<(d0, d1) -> (0, 0, 0, 0)>
#map2 = affine_map<(d0, d1) -> (0, 0, 0)>
module attributes {stable_mosaic.version = 14 : i64} {
  func.func @_scatter_body(%arg0: i32, %arg1: i32, %arg2: memref<20000x64xbf16, #tpu.memory_space<hbm>>, %arg3: memref<2x16x79x256xi32, #tpu.memory_space<hbm>>, %arg4: memref<16x79x256xi32, #tpu.memory_space<hbm>>, %arg5: memref<2x10240x64xbf16, #tpu.memory_space<hbm>>, %arg6: memref<79x256xi32, #tpu.memory_space<vmem>>, %arg7: memref<79x256xi32, #tpu.memory_space<vmem>>, %arg8: memref<256x64xbf16, #tpu.memory_space<vmem>>, %arg9: memref<64x64xbf16, #tpu.memory_space<vmem>>, %arg10: memref<10240x64xbf16, #tpu.memory_space<vmem_shared>>, %arg11: memref<!tpu.dma_semaphore, #tpu.memory_space<semaphore_mem>>) attributes {dimension_semantics = [#tpu.dimension_semantics<core_parallel>, #tpu.dimension_semantics<subcore_parallel>], iteration_bounds = array<i64: 2, 16>, scalar_prefetch = 0 : i64, scratch_operands = 6 : i64, tpu.core_type = #tpu.core_type<sc_vector_subcore>, window_params = [{transform_indices = #map}, {transform_indices = #map1}, {transform_indices = #map2}, {transform_indices = #map2}]} {
    %scan3A = arith.constant 0 : i32
    %scan3A_0 = arith.constant 64 : i32
    %scan3A_1 = arith.addi %scan3A, %scan3A_0 : i32
    %scan3A_2 = arith.constant 1 : i32
    scf.for %scan3A_30 = %scan3A to %scan3A_1 step %scan3A_2  : i32 {
      %mul3A_31 = arith.constant 1 : i32
      %mul3A_32 = arith.muli %scan3A_30, %mul3A_31 : i32
      %add3A_33 = arith.constant 0 : i32
      %add3A_34 = arith.addi %add3A_33, %mul3A_32 : i32
      %broadcast_in_dim3A = arith.constant 0.000000e+00 : bf16
      %broadcast_in_dim3A_35 = vector.broadcast %broadcast_in_dim3A : bf16 to vector<32xbf16>
      %swap3A = arith.index_cast %add3A_34 : i32 to index
      %swap3A_36 = arith.constant 0 : index
      %swap3A_37 = tpu.vector_load %arg9[%swap3A, %swap3A_36] {strides = array<i32>} : memref<64x64xbf16, #tpu.memory_space<vmem>>, vector<1x32xbf16>,
      %swap3A_38 = vector.shape_cast %swap3A_37 : vector<1x32xbf16> to vector<32xbf16>
      %swap3A_39 = vector.shape_cast %broadcast_in_dim3A_35 : vector<32xbf16> to vector<1x32xbf16>
      tpu.vector_store %arg9[%swap3A, %swap3A_36], %swap3A_39 {strides = array<i32>} : memref<64x64xbf16, #tpu.memory_space<vmem>>, vector<1x32xbf16>,
      %broadcast_in_dim3A_40 = arith.constant 0.000000e+00 : bf16
      %broadcast_in_dim3A_41 = vector.broadcast %broadcast_in_dim3A_40 : bf16 to vector<32xbf16>
      %swap3A_42 = arith.index_cast %add3A_34 : i32 to index
      %swap3A_43 = arith.constant 32 : index
      %swap3A_44 = tpu.vector_load %arg9[%swap3A_42, %swap3A_43] {strides = array<i32>} : memref<64x64xbf16, #tpu.memory_space<vmem>>, vector<1x32xbf16>,
      %swap3A_45 = vector.shape_cast %swap3A_44 : vector<1x32xbf16> to vector<32xbf16>
      %swap3A_46 = vector.shape_cast %broadcast_in_dim3A_41 : vector<32xbf16> to vector<1x32xbf16>
      tpu.vector_store %arg9[%swap3A_42, %swap3A_43], %swap3A_46 {strides = array<i32>} : memref<64x64xbf16, #tpu.memory_space<vmem>>, vector<1x32xbf16>,
    }
    %scan3A_3 = arith.constant 64 : i32
    %mul3A = arith.constant 640 : i32
    %mul3A_4 = arith.muli %arg1, %mul3A : i32
    %add3A = arith.constant 0 : i32
    %add3A_5 = arith.addi %mul3A_4, %add3A : i32
    "tpu.region"() ({
      %run_scoped3A = tpu.sem_alloc : memref<!tpu.dma_semaphore, #tpu.memory_space<semaphore_mem>>
      %dma_start3A = arith.constant 0 : i32
      %dma_start3A_30 = tpu.memref_slice %arg10[%add3A_5, %dma_start3A] : memref<10240x64xbf16, #tpu.memory_space<vmem_shared>> -> memref<64x64xbf16, #tpu.memory_space<vmem_shared>>
      %dma_start3A_31 = arith.constant 0 : i32
      %dma_start3A_32 = tpu.memref_slice %arg10[%add3A_5, %dma_start3A_31] : memref<10240x64xbf16, #tpu.memory_space<vmem_shared>> -> memref<64x64xbf16, #tpu.memory_space<vmem_shared>>
      tpu.enqueue_dma source(%arg9 : memref<64x64xbf16, #tpu.memory_space<vmem>>) target(%dma_start3A_32 : memref<64x64xbf16, #tpu.memory_space<vmem_shared>>) target_semaphore(%run_scoped3A : memref<!tpu.dma_semaphore, #tpu.memory_space<semaphore_mem>>)
      %dma_wait3A = arith.constant 0 : i32
      %dma_wait3A_33 = tpu.memref_slice %arg10[%add3A_5, %dma_wait3A] : memref<10240x64xbf16, #tpu.memory_space<vmem_shared>> -> memref<64x64xbf16, #tpu.memory_space<vmem_shared>>
      %dma_wait3A_34 = arith.constant 0 : i32
      %dma_wait3A_35 = tpu.memref_slice %arg10[%add3A_5, %dma_wait3A_34] : memref<10240x64xbf16, #tpu.memory_space<vmem_shared>> -> memref<64x64xbf16, #tpu.memory_space<vmem_shared>>
      tpu.wait_dma2 semaphore(%run_scoped3A : memref<!tpu.dma_semaphore, #tpu.memory_space<semaphore_mem>>) src(%arg9 : memref<64x64xbf16, #tpu.memory_space<vmem>>) dst(%dma_wait3A_35 : memref<64x64xbf16, #tpu.memory_space<vmem_shared>>)
      tpu.yield
    }) : () -> ()
    %add3A_6 = arith.constant 64 : i32
    %add3A_7 = arith.addi %mul3A_4, %add3A_6 : i32
    "tpu.region"() ({
      %run_scoped3A = tpu.sem_alloc : memref<!tpu.dma_semaphore, #tpu.memory_space<semaphore_mem>>
      %dma_start3A = arith.constant 0 : i32
      %dma_start3A_30 = tpu.memref_slice %arg10[%add3A_7, %dma_start3A] : memref<10240x64xbf16, #tpu.memory_space<vmem_shared>> -> memref<64x64xbf16, #tpu.memory_space<vmem_shared>>
      %dma_start3A_31 = arith.constant 0 : i32
      %dma_start3A_32 = tpu.memref_slice %arg10[%add3A_7, %dma_start3A_31] : memref<10240x64xbf16, #tpu.memory_space<vmem_shared>> -> memref<64x64xbf16, #tpu.memory_space<vmem_shared>>
      tpu.enqueue_dma source(%arg9 : memref<64x64xbf16, #tpu.memory_space<vmem>>) target(%dma_start3A_32 : memref<64x64xbf16, #tpu.memory_space<vmem_shared>>) target_semaphore(%run_scoped3A : memref<!tpu.dma_semaphore, #tpu.memory_space<semaphore_mem>>)
      %dma_wait3A = arith.constant 0 : i32
      %dma_wait3A_33 = tpu.memref_slice %arg10[%add3A_7, %dma_wait3A] : memref<10240x64xbf16, #tpu.memory_space<vmem_shared>> -> memref<64x64xbf16, #tpu.memory_space<vmem_shared>>
      %dma_wait3A_34 = arith.constant 0 : i32
      %dma_wait3A_35 = tpu.memref_slice %arg10[%add3A_7, %dma_wait3A_34] : memref<10240x64xbf16, #tpu.memory_space<vmem_shared>> -> memref<64x64xbf16, #tpu.memory_space<vmem_shared>>
      tpu.wait_dma2 semaphore(%run_scoped3A : memref<!tpu.dma_semaphore, #tpu.memory_space<semaphore_mem>>) src(%arg9 : memref<64x64xbf16, #tpu.memory_space<vmem>>) dst(%dma_wait3A_35 : memref<64x64xbf16, #tpu.memory_space<vmem_shared>>)
      tpu.yield
    }) : () -> ()
    %add3A_8 = arith.constant 128 : i32
    %add3A_9 = arith.addi %mul3A_4, %add3A_8 : i32
    "tpu.region"() ({
      %run_scoped3A = tpu.sem_alloc : memref<!tpu.dma_semaphore, #tpu.memory_space<semaphore_mem>>
      %dma_start3A = arith.constant 0 : i32
      %dma_start3A_30 = tpu.memref_slice %arg10[%add3A_9, %dma_start3A] : memref<10240x64xbf16, #tpu.memory_space<vmem_shared>> -> memref<64x64xbf16, #tpu.memory_space<vmem_shared>>
      %dma_start3A_31 = arith.constant 0 : i32
      %dma_start3A_32 = tpu.memref_slice %arg10[%add3A_9, %dma_start3A_31] : memref<10240x64xbf16, #tpu.memory_space<vmem_shared>> -> memref<64x64xbf16, #tpu.memory_space<vmem_shared>>
      tpu.enqueue_dma source(%arg9 : memref<64x64xbf16, #tpu.memory_space<vmem>>) target(%dma_start3A_32 : memref<64x64xbf16, #tpu.memory_space<vmem_shared>>) target_semaphore(%run_scoped3A : memref<!tpu.dma_semaphore, #tpu.memory_space<semaphore_mem>>)
      %dma_wait3A = arith.constant 0 : i32
      %dma_wait3A_33 = tpu.memref_slice %arg10[%add3A_9, %dma_wait3A] : memref<10240x64xbf16, #tpu.memory_space<vmem_shared>> -> memref<64x64xbf16, #tpu.memory_space<vmem_shared>>
      %dma_wait3A_34 = arith.constant 0 : i32
      %dma_wait3A_35 = tpu.memref_slice %arg10[%add3A_9, %dma_wait3A_34] : memref<10240x64xbf16, #tpu.memory_space<vmem_shared>> -> memref<64x64xbf16, #tpu.memory_space<vmem_shared>>
      tpu.wait_dma2 semaphore(%run_scoped3A : memref<!tpu.dma_semaphore, #tpu.memory_space<semaphore_mem>>) src(%arg9 : memref<64x64xbf16, #tpu.memory_space<vmem>>) dst(%dma_wait3A_35 : memref<64x64xbf16, #tpu.memory_space<vmem_shared>>)
      tpu.yield
    }) : () -> ()
    %add3A_10 = arith.constant 192 : i32
    %add3A_11 = arith.addi %mul3A_4, %add3A_10 : i32
    "tpu.region"() ({
      %run_scoped3A = tpu.sem_alloc : memref<!tpu.dma_semaphore, #tpu.memory_space<semaphore_mem>>
      %dma_start3A = arith.constant 0 : i32
      %dma_start3A_30 = tpu.memref_slice %arg10[%add3A_11, %dma_start3A] : memref<10240x64xbf16, #tpu.memory_space<vmem_shared>> -> memref<64x64xbf16, #tpu.memory_space<vmem_shared>>
      %dma_start3A_31 = arith.constant 0 : i32
      %dma_start3A_32 = tpu.memref_slice %arg10[%add3A_11, %dma_start3A_31] : memref<10240x64xbf16, #tpu.memory_space<vmem_shared>> -> memref<64x64xbf16, #tpu.memory_space<vmem_shared>>
      tpu.enqueue_dma source(%arg9 : memref<64x64xbf16, #tpu.memory_space<vmem>>) target(%dma_start3A_32 : memref<64x64xbf16, #tpu.memory_space<vmem_shared>>) target_semaphore(%run_scoped3A : memref<!tpu.dma_semaphore, #tpu.memory_space<semaphore_mem>>)
      %dma_wait3A = arith.constant 0 : i32
      %dma_wait3A_33 = tpu.memref_slice %arg10[%add3A_11, %dma_wait3A] : memref<10240x64xbf16, #tpu.memory_space<vmem_shared>> -> memref<64x64xbf16, #tpu.memory_space<vmem_shared>>
      %dma_wait3A_34 = arith.constant 0 : i32
      %dma_wait3A_35 = tpu.memref_slice %arg10[%add3A_11, %dma_wait3A_34] : memref<10240x64xbf16, #tpu.memory_space<vmem_shared>> -> memref<64x64xbf16, #tpu.memory_space<vmem_shared>>
      tpu.wait_dma2 semaphore(%run_scoped3A : memref<!tpu.dma_semaphore, #tpu.memory_space<semaphore_mem>>) src(%arg9 : memref<64x64xbf16, #tpu.memory_space<vmem>>) dst(%dma_wait3A_35 : memref<64x64xbf16, #tpu.memory_space<vmem_shared>>)
      tpu.yield
    }) : () -> ()
    %add3A_12 = arith.constant 256 : i32
    %add3A_13 = arith.addi %mul3A_4, %add3A_12 : i32
    "tpu.region"() ({
      %run_scoped3A = tpu.sem_alloc : memref<!tpu.dma_semaphore, #tpu.memory_space<semaphore_mem>>
      %dma_start3A = arith.constant 0 : i32
      %dma_start3A_30 = tpu.memref_slice %arg10[%add3A_13, %dma_start3A] : memref<10240x64xbf16, #tpu.memory_space<vmem_shared>> -> memref<64x64xbf16, #tpu.memory_space<vmem_shared>>
      %dma_start3A_31 = arith.constant 0 : i32
      %dma_start3A_32 = tpu.memref_slice %arg10[%add3A_13, %dma_start3A_31] : memref<10240x64xbf16, #tpu.memory_space<vmem_shared>> -> memref<64x64xbf16, #tpu.memory_space<vmem_shared>>
      tpu.enqueue_dma source(%arg9 : memref<64x64xbf16, #tpu.memory_space<vmem>>) target(%dma_start3A_32 : memref<64x64xbf16, #tpu.memory_space<vmem_shared>>) target_semaphore(%run_scoped3A : memref<!tpu.dma_semaphore, #tpu.memory_space<semaphore_mem>>)
      %dma_wait3A = arith.constant 0 : i32
      %dma_wait3A_33 = tpu.memref_slice %arg10[%add3A_13, %dma_wait3A] : memref<10240x64xbf16, #tpu.memory_space<vmem_shared>> -> memref<64x64xbf16, #tpu.memory_space<vmem_shared>>
      %dma_wait3A_34 = arith.constant 0 : i32
      %dma_wait3A_35 = tpu.memref_slice %arg10[%add3A_13, %dma_wait3A_34] : memref<10240x64xbf16, #tpu.memory_space<vmem_shared>> -> memref<64x64xbf16, #tpu.memory_space<vmem_shared>>
      tpu.wait_dma2 semaphore(%run_scoped3A : memref<!tpu.dma_semaphore, #tpu.memory_space<semaphore_mem>>) src(%arg9 : memref<64x64xbf16, #tpu.memory_space<vmem>>) dst(%dma_wait3A_35 : memref<64x64xbf16, #tpu.memory_space<vmem_shared>>)
      tpu.yield
    }) : () -> ()
    %add3A_14 = arith.constant 320 : i32
    %add3A_15 = arith.addi %mul3A_4, %add3A_14 : i32
    "tpu.region"() ({
      %run_scoped3A = tpu.sem_alloc : memref<!tpu.dma_semaphore, #tpu.memory_space<semaphore_mem>>
      %dma_start3A = arith.constant 0 : i32
      %dma_start3A_30 = tpu.memref_slice %arg10[%add3A_15, %dma_start3A] : memref<10240x64xbf16, #tpu.memory_space<vmem_shared>> -> memref<64x64xbf16, #tpu.memory_space<vmem_shared>>
      %dma_start3A_31 = arith.constant 0 : i32
      %dma_start3A_32 = tpu.memref_slice %arg10[%add3A_15, %dma_start3A_31] : memref<10240x64xbf16, #tpu.memory_space<vmem_shared>> -> memref<64x64xbf16, #tpu.memory_space<vmem_shared>>
      tpu.enqueue_dma source(%arg9 : memref<64x64xbf16, #tpu.memory_space<vmem>>) target(%dma_start3A_32 : memref<64x64xbf16, #tpu.memory_space<vmem_shared>>) target_semaphore(%run_scoped3A : memref<!tpu.dma_semaphore, #tpu.memory_space<semaphore_mem>>)
      %dma_wait3A = arith.constant 0 : i32
      %dma_wait3A_33 = tpu.memref_slice %arg10[%add3A_15, %dma_wait3A] : memref<10240x64xbf16, #tpu.memory_space<vmem_shared>> -> memref<64x64xbf16, #tpu.memory_space<vmem_shared>>
      %dma_wait3A_34 = arith.constant 0 : i32
      %dma_wait3A_35 = tpu.memref_slice %arg10[%add3A_15, %dma_wait3A_34] : memref<10240x64xbf16, #tpu.memory_space<vmem_shared>> -> memref<64x64xbf16, #tpu.memory_space<vmem_shared>>
      tpu.wait_dma2 semaphore(%run_scoped3A : memref<!tpu.dma_semaphore, #tpu.memory_space<semaphore_mem>>) src(%arg9 : memref<64x64xbf16, #tpu.memory_space<vmem>>) dst(%dma_wait3A_35 : memref<64x64xbf16, #tpu.memory_space<vmem_shared>>)
      tpu.yield
    }) : () -> ()
    %add3A_16 = arith.constant 384 : i32
    %add3A_17 = arith.addi %mul3A_4, %add3A_16 : i32
    "tpu.region"() ({
      %run_scoped3A = tpu.sem_alloc : memref<!tpu.dma_semaphore, #tpu.memory_space<semaphore_mem>>
      %dma_start3A = arith.constant 0 : i32
      %dma_start3A_30 = tpu.memref_slice %arg10[%add3A_17, %dma_start3A] : memref<10240x64xbf16, #tpu.memory_space<vmem_shared>> -> memref<64x64xbf16, #tpu.memory_space<vmem_shared>>
      %dma_start3A_31 = arith.constant 0 : i32
      %dma_start3A_32 = tpu.memref_slice %arg10[%add3A_17, %dma_start3A_31] : memref<10240x64xbf16, #tpu.memory_space<vmem_shared>> -> memref<64x64xbf16, #tpu.memory_space<vmem_shared>>
      tpu.enqueue_dma source(%arg9 : memref<64x64xbf16, #tpu.memory_space<vmem>>) target(%dma_start3A_32 : memref<64x64xbf16, #tpu.memory_space<vmem_shared>>) target_semaphore(%run_scoped3A : memref<!tpu.dma_semaphore, #tpu.memory_space<semaphore_mem>>)
      %dma_wait3A = arith.constant 0 : i32
      %dma_wait3A_33 = tpu.memref_slice %arg10[%add3A_17, %dma_wait3A] : memref<10240x64xbf16, #tpu.memory_space<vmem_shared>> -> memref<64x64xbf16, #tpu.memory_space<vmem_shared>>
      %dma_wait3A_34 = arith.constant 0 : i32
      %dma_wait3A_35 = tpu.memref_slice %arg10[%add3A_17, %dma_wait3A_34] : memref<10240x64xbf16, #tpu.memory_space<vmem_shared>> -> memref<64x64xbf16, #tpu.memory_space<vmem_shared>>
      tpu.wait_dma2 semaphore(%run_scoped3A : memref<!tpu.dma_semaphore, #tpu.memory_space<semaphore_mem>>) src(%arg9 : memref<64x64xbf16, #tpu.memory_space<vmem>>) dst(%dma_wait3A_35 : memref<64x64xbf16, #tpu.memory_space<vmem_shared>>)
      tpu.yield
    }) : () -> ()
    %add3A_18 = arith.constant 448 : i32
    %add3A_19 = arith.addi %mul3A_4, %add3A_18 : i32
    "tpu.region"() ({
      %run_scoped3A = tpu.sem_alloc : memref<!tpu.dma_semaphore, #tpu.memory_space<semaphore_mem>>
      %dma_start3A = arith.constant 0 : i32
      %dma_start3A_30 = tpu.memref_slice %arg10[%add3A_19, %dma_start3A] : memref<10240x64xbf16, #tpu.memory_space<vmem_shared>> -> memref<64x64xbf16, #tpu.memory_space<vmem_shared>>
      %dma_start3A_31 = arith.constant 0 : i32
      %dma_start3A_32 = tpu.memref_slice %arg10[%add3A_19, %dma_start3A_31] : memref<10240x64xbf16, #tpu.memory_space<vmem_shared>> -> memref<64x64xbf16, #tpu.memory_space<vmem_shared>>
      tpu.enqueue_dma source(%arg9 : memref<64x64xbf16, #tpu.memory_space<vmem>>) target(%dma_start3A_32 : memref<64x64xbf16, #tpu.memory_space<vmem_shared>>) target_semaphore(%run_scoped3A : memref<!tpu.dma_semaphore, #tpu.memory_space<semaphore_mem>>)
      %dma_wait3A = arith.constant 0 : i32
      %dma_wait3A_33 = tpu.memref_slice %arg10[%add3A_19, %dma_wait3A] : memref<10240x64xbf16, #tpu.memory_space<vmem_shared>> -> memref<64x64xbf16, #tpu.memory_space<vmem_shared>>
      %dma_wait3A_34 = arith.constant 0 : i32
      %dma_wait3A_35 = tpu.memref_slice %arg10[%add3A_19, %dma_wait3A_34] : memref<10240x64xbf16, #tpu.memory_space<vmem_shared>> -> memref<64x64xbf16, #tpu.memory_space<vmem_shared>>
      tpu.wait_dma2 semaphore(%run_scoped3A : memref<!tpu.dma_semaphore, #tpu.memory_space<semaphore_mem>>) src(%arg9 : memref<64x64xbf16, #tpu.memory_space<vmem>>) dst(%dma_wait3A_35 : memref<64x64xbf16, #tpu.memory_space<vmem_shared>>)
      tpu.yield
    }) : () -> ()
    %add3A_20 = arith.constant 512 : i32
    %add3A_21 = arith.addi %mul3A_4, %add3A_20 : i32
    "tpu.region"() ({
      %run_scoped3A = tpu.sem_alloc : memref<!tpu.dma_semaphore, #tpu.memory_space<semaphore_mem>>
      %dma_start3A = arith.constant 0 : i32
      %dma_start3A_30 = tpu.memref_slice %arg10[%add3A_21, %dma_start3A] : memref<10240x64xbf16, #tpu.memory_space<vmem_shared>> -> memref<64x64xbf16, #tpu.memory_space<vmem_shared>>
      %dma_start3A_31 = arith.constant 0 : i32
      %dma_start3A_32 = tpu.memref_slice %arg10[%add3A_21, %dma_start3A_31] : memref<10240x64xbf16, #tpu.memory_space<vmem_shared>> -> memref<64x64xbf16, #tpu.memory_space<vmem_shared>>
      tpu.enqueue_dma source(%arg9 : memref<64x64xbf16, #tpu.memory_space<vmem>>) target(%dma_start3A_32 : memref<64x64xbf16, #tpu.memory_space<vmem_shared>>) target_semaphore(%run_scoped3A : memref<!tpu.dma_semaphore, #tpu.memory_space<semaphore_mem>>)
      %dma_wait3A = arith.constant 0 : i32
      %dma_wait3A_33 = tpu.memref_slice %arg10[%add3A_21, %dma_wait3A] : memref<10240x64xbf16, #tpu.memory_space<vmem_shared>> -> memref<64x64xbf16, #tpu.memory_space<vmem_shared>>
      %dma_wait3A_34 = arith.constant 0 : i32
      %dma_wait3A_35 = tpu.memref_slice %arg10[%add3A_21, %dma_wait3A_34] : memref<10240x64xbf16, #tpu.memory_space<vmem_shared>> -> memref<64x64xbf16, #tpu.memory_space<vmem_shared>>
      tpu.wait_dma2 semaphore(%run_scoped3A : memref<!tpu.dma_semaphore, #tpu.memory_space<semaphore_mem>>) src(%arg9 : memref<64x64xbf16, #tpu.memory_space<vmem>>) dst(%dma_wait3A_35 : memref<64x64xbf16, #tpu.memory_space<vmem_shared>>)
      tpu.yield
    }) : () -> ()
    %add3A_22 = arith.constant 576 : i32
    %add3A_23 = arith.addi %mul3A_4, %add3A_22 : i32
    "tpu.region"() ({
      %run_scoped3A = tpu.sem_alloc : memref<!tpu.dma_semaphore, #tpu.memory_space<semaphore_mem>>
      %dma_start3A = arith.constant 0 : i32
      %dma_start3A_30 = tpu.memref_slice %arg10[%add3A_23, %dma_start3A] : memref<10240x64xbf16, #tpu.memory_space<vmem_shared>> -> memref<64x64xbf16, #tpu.memory_space<vmem_shared>>
      %dma_start3A_31 = arith.constant 0 : i32
      %dma_start3A_32 = tpu.memref_slice %arg10[%add3A_23, %dma_start3A_31] : memref<10240x64xbf16, #tpu.memory_space<vmem_shared>> -> memref<64x64xbf16, #tpu.memory_space<vmem_shared>>
      tpu.enqueue_dma source(%arg9 : memref<64x64xbf16, #tpu.memory_space<vmem>>) target(%dma_start3A_32 : memref<64x64xbf16, #tpu.memory_space<vmem_shared>>) target_semaphore(%run_scoped3A : memref<!tpu.dma_semaphore, #tpu.memory_space<semaphore_mem>>)
      %dma_wait3A = arith.constant 0 : i32
      %dma_wait3A_33 = tpu.memref_slice %arg10[%add3A_23, %dma_wait3A] : memref<10240x64xbf16, #tpu.memory_space<vmem_shared>> -> memref<64x64xbf16, #tpu.memory_space<vmem_shared>>
      %dma_wait3A_34 = arith.constant 0 : i32
      %dma_wait3A_35 = tpu.memref_slice %arg10[%add3A_23, %dma_wait3A_34] : memref<10240x64xbf16, #tpu.memory_space<vmem_shared>> -> memref<64x64xbf16, #tpu.memory_space<vmem_shared>>
      tpu.wait_dma2 semaphore(%run_scoped3A : memref<!tpu.dma_semaphore, #tpu.memory_space<semaphore_mem>>) src(%arg9 : memref<64x64xbf16, #tpu.memory_space<vmem>>) dst(%dma_wait3A_35 : memref<64x64xbf16, #tpu.memory_space<vmem_shared>>)
      tpu.yield
    }) : () -> ()
    "tpu.region"() ({
      %run_scoped3A = tpu.sem_alloc : memref<!tpu.dma_semaphore, #tpu.memory_space<semaphore_mem>>
      %dma_start3A = arith.constant 0 : i32
      %dma_start3A_30 = arith.constant 0 : i32
      %dma_start3A_31 = tpu.memref_slice %arg3[%arg0, %arg1, %dma_start3A, %dma_start3A_30] : memref<2x16x79x256xi32, #tpu.memory_space<hbm>> -> memref<1x1x79x256xi32, #tpu.memory_space<hbm>>
      %dma_start3A_32 = tpu.memref_squeeze %dma_start3A_31 : memref<1x1x79x256xi32, #tpu.memory_space<hbm>> -> memref<79x256xi32, #tpu.memory_space<hbm>>
      %dma_start3A_33 = arith.constant 0 : i32
      %dma_start3A_34 = arith.constant 0 : i32
      %dma_start3A_35 = tpu.memref_slice %arg3[%arg0, %arg1, %dma_start3A_33, %dma_start3A_34] : memref<2x16x79x256xi32, #tpu.memory_space<hbm>> -> memref<1x1x79x256xi32, #tpu.memory_space<hbm>>
      %dma_start3A_36 = tpu.memref_squeeze %dma_start3A_35 : memref<1x1x79x256xi32, #tpu.memory_space<hbm>> -> memref<79x256xi32, #tpu.memory_space<hbm>>
      tpu.enqueue_dma source(%dma_start3A_36 : memref<79x256xi32, #tpu.memory_space<hbm>>) target(%arg6 : memref<79x256xi32, #tpu.memory_space<vmem>>) target_semaphore(%run_scoped3A : memref<!tpu.dma_semaphore, #tpu.memory_space<semaphore_mem>>)
      %dma_wait3A = arith.constant 0 : i32
      %dma_wait3A_37 = arith.constant 0 : i32
      %dma_wait3A_38 = tpu.memref_slice %arg3[%arg0, %arg1, %dma_wait3A, %dma_wait3A_37] : memref<2x16x79x256xi32, #tpu.memory_space<hbm>> -> memref<1x1x79x256xi32, #tpu.memory_space<hbm>>
      %dma_wait3A_39 = tpu.memref_squeeze %dma_wait3A_38 : memref<1x1x79x256xi32, #tpu.memory_space<hbm>> -> memref<79x256xi32, #tpu.memory_space<hbm>>
      %dma_wait3A_40 = arith.constant 0 : i32
      %dma_wait3A_41 = arith.constant 0 : i32
      %dma_wait3A_42 = tpu.memref_slice %arg3[%arg0, %arg1, %dma_wait3A_40, %dma_wait3A_41] : memref<2x16x79x256xi32, #tpu.memory_space<hbm>> -> memref<1x1x79x256xi32, #tpu.memory_space<hbm>>
      %dma_wait3A_43 = tpu.memref_squeeze %dma_wait3A_42 : memref<1x1x79x256xi32, #tpu.memory_space<hbm>> -> memref<79x256xi32, #tpu.memory_space<hbm>>
      tpu.wait_dma2 semaphore(%run_scoped3A : memref<!tpu.dma_semaphore, #tpu.memory_space<semaphore_mem>>) src(%dma_wait3A_43 : memref<79x256xi32, #tpu.memory_space<hbm>>) dst(%arg6 : memref<79x256xi32, #tpu.memory_space<vmem>>)
      tpu.yield
    }) : () -> ()
    "tpu.region"() ({
      %run_scoped3A = tpu.sem_alloc : memref<!tpu.dma_semaphore, #tpu.memory_space<semaphore_mem>>
      %dma_start3A = arith.constant 0 : i32
      %dma_start3A_30 = arith.constant 0 : i32
      %dma_start3A_31 = tpu.memref_slice %arg4[%arg1, %dma_start3A, %dma_start3A_30] : memref<16x79x256xi32, #tpu.memory_space<hbm>> -> memref<1x79x256xi32, #tpu.memory_space<hbm>>
      %dma_start3A_32 = tpu.memref_squeeze %dma_start3A_31 : memref<1x79x256xi32, #tpu.memory_space<hbm>> -> memref<79x256xi32, #tpu.memory_space<hbm>>
      %dma_start3A_33 = arith.constant 0 : i32
      %dma_start3A_34 = arith.constant 0 : i32
      %dma_start3A_35 = tpu.memref_slice %arg4[%arg1, %dma_start3A_33, %dma_start3A_34] : memref<16x79x256xi32, #tpu.memory_space<hbm>> -> memref<1x79x256xi32, #tpu.memory_space<hbm>>
      %dma_start3A_36 = tpu.memref_squeeze %dma_start3A_35 : memref<1x79x256xi32, #tpu.memory_space<hbm>> -> memref<79x256xi32, #tpu.memory_space<hbm>>
      tpu.enqueue_dma source(%dma_start3A_36 : memref<79x256xi32, #tpu.memory_space<hbm>>) target(%arg7 : memref<79x256xi32, #tpu.memory_space<vmem>>) target_semaphore(%run_scoped3A : memref<!tpu.dma_semaphore, #tpu.memory_space<semaphore_mem>>)
      %dma_wait3A = arith.constant 0 : i32
      %dma_wait3A_37 = arith.constant 0 : i32
      %dma_wait3A_38 = tpu.memref_slice %arg4[%arg1, %dma_wait3A, %dma_wait3A_37] : memref<16x79x256xi32, #tpu.memory_space<hbm>> -> memref<1x79x256xi32, #tpu.memory_space<hbm>>
      %dma_wait3A_39 = tpu.memref_squeeze %dma_wait3A_38 : memref<1x79x256xi32, #tpu.memory_space<hbm>> -> memref<79x256xi32, #tpu.memory_space<hbm>>
      %dma_wait3A_40 = arith.constant 0 : i32
      %dma_wait3A_41 = arith.constant 0 : i32
      %dma_wait3A_42 = tpu.memref_slice %arg4[%arg1, %dma_wait3A_40, %dma_wait3A_41] : memref<16x79x256xi32, #tpu.memory_space<hbm>> -> memref<1x79x256xi32, #tpu.memory_space<hbm>>
      %dma_wait3A_43 = tpu.memref_squeeze %dma_wait3A_42 : memref<1x79x256xi32, #tpu.memory_space<hbm>> -> memref<79x256xi32, #tpu.memory_space<hbm>>
      tpu.wait_dma2 semaphore(%run_scoped3A : memref<!tpu.dma_semaphore, #tpu.memory_space<semaphore_mem>>) src(%dma_wait3A_43 : memref<79x256xi32, #tpu.memory_space<hbm>>) dst(%arg7 : memref<79x256xi32, #tpu.memory_space<vmem>>)
      tpu.yield
    }) : () -> ()
    %barrier3A = arith.constant 0 : index
    tpu.barrier barrier_id(%barrier3A)
    %scan3A_24 = arith.constant 0 : i32
    %scan3A_25 = arith.constant 79 : i32
    %scan3A_26 = arith.addi %scan3A_24, %scan3A_25 : i32
    %scan3A_27 = arith.constant 1 : i32
    scf.for %scan3A_30 = %scan3A_24 to %scan3A_26 step %scan3A_27  : i32 {
      %mul3A_31 = arith.constant 1 : i32
      %mul3A_32 = arith.muli %scan3A_30, %mul3A_31 : i32
      %add3A_33 = arith.constant 0 : i32
      %add3A_34 = arith.addi %add3A_33, %mul3A_32 : i32
      %dma_start3A = arith.constant 0 : i32
      %dma_start3A_35 = tpu.memref_slice %arg6[%add3A_34, %dma_start3A] : memref<79x256xi32, #tpu.memory_space<vmem>> -> memref<1x256xi32, #tpu.memory_space<vmem>>
      %dma_start3A_36 = tpu.memref_squeeze %dma_start3A_35 : memref<1x256xi32, #tpu.memory_space<vmem>> -> memref<256xi32, #tpu.memory_space<vmem>>
      %dma_start3A_37 = arith.constant 0 : i32
      %dma_start3A_38 = arith.constant 0 : i32
      %dma_start3A_39 = tpu.memref_slice %arg2[%dma_start3A_37, %dma_start3A_38] : memref<20000x64xbf16, #tpu.memory_space<hbm>> -> memref<20000x64xbf16, #tpu.memory_space<hbm>>
      tpu.enqueue_indirect_dma source(%dma_start3A_39 : memref<20000x64xbf16, #tpu.memory_space<hbm>>) target(%arg8 : memref<256x64xbf16, #tpu.memory_space<vmem>>) offsets(%dma_start3A_36 : memref<256xi32, #tpu.memory_space<vmem>>) semaphore(%arg11 : memref<!tpu.dma_semaphore, #tpu.memory_space<semaphore_mem>>)
      %dma_wait3A = arith.constant 0 : i32
      %dma_wait3A_40 = tpu.memref_slice %arg6[%add3A_34, %dma_wait3A] : memref<79x256xi32, #tpu.memory_space<vmem>> -> memref<1x256xi32, #tpu.memory_space<vmem>>
      %dma_wait3A_41 = tpu.memref_squeeze %dma_wait3A_40 : memref<1x256xi32, #tpu.memory_space<vmem>> -> memref<256xi32, #tpu.memory_space<vmem>>
      %dma_wait3A_42 = arith.constant 0 : i32
      %dma_wait3A_43 = arith.constant 0 : i32
      %dma_wait3A_44 = tpu.memref_slice %arg2[%dma_wait3A_42, %dma_wait3A_43] : memref<20000x64xbf16, #tpu.memory_space<hbm>> -> memref<20000x64xbf16, #tpu.memory_space<hbm>>
      tpu.wait_indirect_dma semaphore(%arg11 : memref<!tpu.dma_semaphore, #tpu.memory_space<semaphore_mem>>) src(%dma_wait3A_44 : memref<20000x64xbf16, #tpu.memory_space<hbm>>) dst(%arg8 : memref<256x64xbf16, #tpu.memory_space<vmem>>)
      "tpu.region"() ({
        %run_scoped3A = tpu.sem_alloc : memref<!tpu.dma_semaphore, #tpu.memory_space<semaphore_mem>>
        %dma_start3A_45 = arith.constant 0 : i32
        %dma_start3A_46 = tpu.memref_slice %arg7[%add3A_34, %dma_start3A_45] : memref<79x256xi32, #tpu.memory_space<vmem>> -> memref<1x256xi32, #tpu.memory_space<vmem>>
        %dma_start3A_47 = tpu.memref_squeeze %dma_start3A_46 : memref<1x256xi32, #tpu.memory_space<vmem>> -> memref<256xi32, #tpu.memory_space<vmem>>
        %dma_start3A_48 = arith.constant 0 : i32
        %dma_start3A_49 = arith.constant 0 : i32
        %dma_start3A_50 = tpu.memref_slice %arg10[%dma_start3A_48, %dma_start3A_49] : memref<10240x64xbf16, #tpu.memory_space<vmem_shared>> -> memref<10240x64xbf16, #tpu.memory_space<vmem_shared>>
        tpu.enqueue_indirect_dma source(%arg8 : memref<256x64xbf16, #tpu.memory_space<vmem>>) target(%dma_start3A_50 : memref<10240x64xbf16, #tpu.memory_space<vmem_shared>>) offsets(%dma_start3A_47 : memref<256xi32, #tpu.memory_space<vmem>>) semaphore(%run_scoped3A : memref<!tpu.dma_semaphore, #tpu.memory_space<semaphore_mem>>) {add = true}
        %dma_wait3A_51 = arith.constant 0 : i32
        %dma_wait3A_52 = tpu.memref_slice %arg7[%add3A_34, %dma_wait3A_51] : memref<79x256xi32, #tpu.memory_space<vmem>> -> memref<1x256xi32, #tpu.memory_space<vmem>>
        %dma_wait3A_53 = tpu.memref_squeeze %dma_wait3A_52 : memref<1x256xi32, #tpu.memory_space<vmem>> -> memref<256xi32, #tpu.memory_space<vmem>>
        %dma_wait3A_54 = arith.constant 0 : i32
        %dma_wait3A_55 = arith.constant 0 : i32
        %dma_wait3A_56 = tpu.memref_slice %arg10[%dma_wait3A_54, %dma_wait3A_55] : memref<10240x64xbf16, #tpu.memory_space<vmem_shared>> -> memref<10240x64xbf16, #tpu.memory_space<vmem_shared>>
        tpu.wait_indirect_dma semaphore(%run_scoped3A : memref<!tpu.dma_semaphore, #tpu.memory_space<semaphore_mem>>) src(%arg8 : memref<256x64xbf16, #tpu.memory_space<vmem>>) dst(%dma_wait3A_56 : memref<10240x64xbf16, #tpu.memory_space<vmem_shared>>)
        tpu.yield
      }) : () -> ()
    }
    %scan3A_28 = arith.constant 79 : i32
    %barrier3A_29 = arith.constant 0 : index
    tpu.barrier barrier_id(%barrier3A_29)
    "tpu.region"() ({
      %run_scoped3A = tpu.sem_alloc : memref<!tpu.dma_semaphore, #tpu.memory_space<semaphore_mem>>
      %dma_start3A = arith.constant 0 : i32
      %dma_start3A_30 = tpu.memref_slice %arg5[%arg0, %mul3A_4, %dma_start3A] : memref<2x10240x64xbf16, #tpu.memory_space<hbm>> -> memref<1x640x64xbf16, #tpu.memory_space<hbm>>
      %dma_start3A_31 = tpu.memref_squeeze %dma_start3A_30 : memref<1x640x64xbf16, #tpu.memory_space<hbm>> -> memref<640x64xbf16, #tpu.memory_space<hbm>>
      %dma_start3A_32 = arith.constant 0 : i32
      %dma_start3A_33 = tpu.memref_slice %arg10[%mul3A_4, %dma_start3A_32] : memref<10240x64xbf16, #tpu.memory_space<vmem_shared>> -> memref<640x64xbf16, #tpu.memory_space<vmem_shared>>
      tpu.enqueue_dma source(%dma_start3A_33 : memref<640x64xbf16, #tpu.memory_space<vmem_shared>>) target(%dma_start3A_31 : memref<640x64xbf16, #tpu.memory_space<hbm>>) target_semaphore(%run_scoped3A : memref<!tpu.dma_semaphore, #tpu.memory_space<semaphore_mem>>)
      %dma_wait3A = arith.constant 0 : i32
      %dma_wait3A_34 = tpu.memref_slice %arg5[%arg0, %mul3A_4, %dma_wait3A] : memref<2x10240x64xbf16, #tpu.memory_space<hbm>> -> memref<1x640x64xbf16, #tpu.memory_space<hbm>>
      %dma_wait3A_35 = tpu.memref_squeeze %dma_wait3A_34 : memref<1x640x64xbf16, #tpu.memory_space<hbm>> -> memref<640x64xbf16, #tpu.memory_space<hbm>>
      %dma_wait3A_36 = arith.constant 0 : i32
      %dma_wait3A_37 = tpu.memref_slice %arg10[%mul3A_4, %dma_wait3A_36] : memref<10240x64xbf16, #tpu.memory_space<vmem_shared>> -> memref<640x64xbf16, #tpu.memory_space<vmem_shared>>
      tpu.wait_dma2 semaphore(%run_scoped3A : memref<!tpu.dma_semaphore, #tpu.memory_space<semaphore_mem>>) src(%dma_wait3A_37 : memref<640x64xbf16, #tpu.memory_space<vmem_shared>>) dst(%dma_wait3A_35 : memref<640x64xbf16, #tpu.memory_space<hbm>>)
      tpu.yield
    }) : () -> ()
    return
  }
}

module attributes {stable_mosaic.version = 14 : i64} {
  func.func @_tc_layer_body(%arg0: memref<10000x128xf32, #tpu.memory_space<vmem>>, %arg1: memref<2x10240x64xbf16, #tpu.memory_space<vmem>>, %arg2: memref<1x10000xi32, #tpu.memory_space<vmem>>, %arg3: memref<1x1xf32, #tpu.memory_space<vmem>>, %arg4: memref<128x128xf32, #tpu.memory_space<vmem>>, %arg5: memref<1x128xf32, #tpu.memory_space<vmem>>, %arg6: memref<128x128xf32, #tpu.memory_space<vmem>>, %arg7: memref<1x128xf32, #tpu.memory_space<vmem>>, %arg8: memref<1x128xf32, #tpu.memory_space<vmem>>, %arg9: memref<1x128xf32, #tpu.memory_space<vmem>>, %arg10: memref<128x128xf32, #tpu.memory_space<vmem>>, %arg11: memref<1x128xf32, #tpu.memory_space<vmem>>, %arg12: memref<128x10xf32, #tpu.memory_space<vmem>>, %arg13: memref<1x10xf32, #tpu.memory_space<vmem>>, %arg14: memref<10000x128xf32, #tpu.memory_space<vmem>>, %arg15: memref<20000x64xbf16, #tpu.memory_space<vmem>>, %arg16: memref<64x10xf32, #tpu.memory_space<vmem>>) attributes {dimension_semantics = [], scalar_prefetch = 0 : i64, scratch_operands = 0 : i64, tpu.core_type = #tpu.core_type<tc>} {
    %get3A = arith.constant 0 : index
    %get3A_0 = arith.constant 0 : index
    %get3A_1 = vector.load %arg0[%get3A, %get3A_0] : memref<10000x128xf32, #tpu.memory_space<vmem>>, vector<10000x128xf32>
    %get3A_2 = arith.constant 0 : index
    %get3A_3 = arith.constant 0 : index
    %get3A_4 = arith.constant 0 : index
    %get3A_5 = vector.load %arg1[%get3A_2, %get3A_3, %get3A_4] : memref<2x10240x64xbf16, #tpu.memory_space<vmem>>, vector<1x10000x64xbf16>
    %get3A_6 = vector.shape_cast %get3A_5 : vector<1x10000x64xbf16> to vector<10000x64xbf16>
    %get3A_7 = arith.constant 1 : index
    %get3A_8 = arith.constant 0 : index
    %get3A_9 = arith.constant 0 : index
    %get3A_10 = vector.load %arg1[%get3A_7, %get3A_8, %get3A_9] : memref<2x10240x64xbf16, #tpu.memory_space<vmem>>, vector<1x10000x64xbf16>
    %get3A_11 = vector.shape_cast %get3A_10 : vector<1x10000x64xbf16> to vector<10000x64xbf16>
    %concatenate3A = tpu.concatenate %get3A_6, %get3A_11 in 1 : vector<10000x64xbf16>, vector<10000x64xbf16> -> vector<10000x128xbf16>
    %convert_element_type3A = arith.extf %concatenate3A : vector<10000x128xbf16> to vector<10000x128xf32>
    %get3A_12 = arith.constant 0 : index
    %get3A_13 = arith.constant 0 : index
    %get3A_14 = vector.load %arg3[%get3A_12, %get3A_13] : memref<1x1xf32, #tpu.memory_space<vmem>>, vector<1x1xf32>
    %get3A_15 = vector.extract %get3A_14[0, 0] : f32 from vector<1x1xf32>
    %add3A = arith.constant 1.000000e+00 : f32
    %add3A_16 = arith.addf %add3A, %get3A_15 : f32
    %mul3A = vector.broadcast %add3A_16 : f32 to vector<10000x128xf32>
    %mul3A_17 = arith.mulf %mul3A, %get3A_1 : vector<10000x128xf32>
    %add3A_18 = arith.addf %mul3A_17, %convert_element_type3A : vector<10000x128xf32>
    %get3A_19 = arith.constant 0 : index
    %get3A_20 = arith.constant 0 : index
    %get3A_21 = vector.load %arg4[%get3A_19, %get3A_20] : memref<128x128xf32, #tpu.memory_space<vmem>>, vector<128x128xf32>
    %dot_general3A = arith.constant dense<0.000000e+00> : vector<10000x128xf32>
    %dot_general3A_22 = tpu.matmul %add3A_18, %get3A_21, %dot_general3A {dimension_numbers = #tpu.dot_dimension_numbers<[1], [0], [0], [1], [0, 0, 1, 1], [], []>, transpose_lhs_hint = false} : vector<10000x128xf32>, vector<128x128xf32>, vector<10000x128xf32> -> vector<10000x128xf32>
    %get3A_23 = arith.constant 0 : index
    %get3A_24 = arith.constant 0 : index
    %get3A_25 = vector.load %arg5[%get3A_23, %get3A_24] : memref<1x128xf32, #tpu.memory_space<vmem>>, vector<1x128xf32>
    %add3A_26 = vector.broadcast %get3A_25 : vector<1x128xf32> to vector<10000x128xf32>
    %add3A_27 = arith.addf %dot_general3A_22, %add3A_26 : vector<10000x128xf32>
    %max3A = arith.constant 0.000000e+00 : f32
    %max3A_28 = vector.broadcast %max3A : f32 to vector<10000x128xf32>
    %max3A_29 = arith.maximumf %add3A_27, %max3A_28 : vector<10000x128xf32>
    %get3A_30 = arith.constant 0 : index
    %get3A_31 = arith.constant 0 : index
    %get3A_32 = vector.load %arg6[%get3A_30, %get3A_31] : memref<128x128xf32, #tpu.memory_space<vmem>>, vector<128x128xf32>
    %dot_general3A_33 = arith.constant dense<0.000000e+00> : vector<10000x128xf32>
    %dot_general3A_34 = tpu.matmul %max3A_29, %get3A_32, %dot_general3A_33 {dimension_numbers = #tpu.dot_dimension_numbers<[1], [0], [0], [1], [0, 0, 1, 1], [], []>, transpose_lhs_hint = false} : vector<10000x128xf32>, vector<128x128xf32>, vector<10000x128xf32> -> vector<10000x128xf32>
    %get3A_35 = arith.constant 0 : index
    %get3A_36 = arith.constant 0 : index
    %get3A_37 = vector.load %arg7[%get3A_35, %get3A_36] : memref<1x128xf32, #tpu.memory_space<vmem>>, vector<1x128xf32>
    %add3A_38 = vector.broadcast %get3A_37 : vector<1x128xf32> to vector<10000x128xf32>
    %add3A_39 = arith.addf %dot_general3A_34, %add3A_38 : vector<10000x128xf32>
    %reduce_sum3A = arith.constant dense<0.000000e+00> : vector<128xf32>
    %reduce_sum3A_40 = vector.multi_reduction <add>, %add3A_39, %reduce_sum3A [0] : vector<10000x128xf32> to vector<128xf32>
    %broadcast_in_dim3A = vector.shape_cast %reduce_sum3A_40 : vector<128xf32> to vector<1x128xf32>
    %div3A = arith.constant 1.000000e+04 : f32
    %div3A_41 = vector.broadcast %div3A : f32 to vector<1x128xf32>
    %div3A_42 = arith.divf %broadcast_in_dim3A, %div3A_41 : vector<1x128xf32>
    %sub3A = vector.broadcast %div3A_42 : vector<1x128xf32> to vector<10000x128xf32>
    %sub3A_43 = arith.subf %add3A_39, %sub3A : vector<10000x128xf32>
    %integer_pow3A = arith.mulf %sub3A_43, %sub3A_43 : vector<10000x128xf32>
    %reduce_sum3A_44 = arith.constant dense<0.000000e+00> : vector<128xf32>
    %reduce_sum3A_45 = vector.multi_reduction <add>, %integer_pow3A, %reduce_sum3A_44 [0] : vector<10000x128xf32> to vector<128xf32>
    %broadcast_in_dim3A_46 = vector.shape_cast %reduce_sum3A_45 : vector<128xf32> to vector<1x128xf32>
    %div3A_47 = arith.constant 1.000000e+04 : f32
    %div3A_48 = vector.broadcast %div3A_47 : f32 to vector<1x128xf32>
    %div3A_49 = arith.divf %broadcast_in_dim3A_46, %div3A_48 : vector<1x128xf32>
    %get3A_50 = arith.constant 0 : index
    %get3A_51 = arith.constant 0 : index
    %get3A_52 = vector.load %arg8[%get3A_50, %get3A_51] : memref<1x128xf32, #tpu.memory_space<vmem>>, vector<1x128xf32>
    %sub3A_53 = vector.broadcast %div3A_42 : vector<1x128xf32> to vector<10000x128xf32>
    %sub3A_54 = arith.subf %add3A_39, %sub3A_53 : vector<10000x128xf32>
    %mul3A_55 = vector.broadcast %get3A_52 : vector<1x128xf32> to vector<10000x128xf32>
    %mul3A_56 = arith.mulf %mul3A_55, %sub3A_54 : vector<10000x128xf32>
    %add3A_57 = arith.constant 9.99999974E-6 : f32
    %add3A_58 = vector.broadcast %add3A_57 : f32 to vector<1x128xf32>
    %add3A_59 = arith.addf %div3A_49, %add3A_58 : vector<1x128xf32>
    %rsqrt3A = math.rsqrt %add3A_59 : vector<1x128xf32>
    %mul3A_60 = vector.broadcast %rsqrt3A : vector<1x128xf32> to vector<10000x128xf32>
    %mul3A_61 = arith.mulf %mul3A_56, %mul3A_60 : vector<10000x128xf32>
    %get3A_62 = arith.constant 0 : index
    %get3A_63 = arith.constant 0 : index
    %get3A_64 = vector.load %arg9[%get3A_62, %get3A_63] : memref<1x128xf32, #tpu.memory_space<vmem>>, vector<1x128xf32>
    %add3A_65 = vector.broadcast %get3A_64 : vector<1x128xf32> to vector<10000x128xf32>
    %add3A_66 = arith.addf %mul3A_61, %add3A_65 : vector<10000x128xf32>
    %max3A_67 = arith.constant 0.000000e+00 : f32
    %max3A_68 = vector.broadcast %max3A_67 : f32 to vector<10000x128xf32>
    %max3A_69 = arith.maximumf %add3A_66, %max3A_68 : vector<10000x128xf32>
    %swap3A = arith.constant 0 : index
    %swap3A_70 = arith.constant 0 : index
    %swap3A_71 = vector.load %arg14[%swap3A, %swap3A_70] : memref<10000x128xf32, #tpu.memory_space<vmem>>, vector<10000x128xf32>
    tpu.vector_store %arg14[%swap3A, %swap3A_70], %max3A_69 {strides = array<i32>} : memref<10000x128xf32, #tpu.memory_space<vmem>>, vector<10000x128xf32>,
    %convert_element_type3A_72 = arith.truncf %max3A_69 : vector<10000x128xf32> to vector<10000x128xbf16>
    %slice3A = vector.extract_strided_slice %convert_element_type3A_72 {offsets = [0, 0], sizes = [10000, 64], strides = [1, 1]} : vector<10000x128xbf16> to vector<10000x64xbf16>
    %swap3A_73 = arith.constant 0 : index
    %swap3A_74 = arith.constant 0 : index
    %swap3A_75 = vector.load %arg15[%swap3A_73, %swap3A_74] : memref<20000x64xbf16, #tpu.memory_space<vmem>>, vector<10000x64xbf16>
    tpu.vector_store %arg15[%swap3A_73, %swap3A_74], %slice3A {strides = array<i32>} : memref<20000x64xbf16, #tpu.memory_space<vmem>>, vector<10000x64xbf16>,
    %slice3A_76 = vector.extract_strided_slice %convert_element_type3A_72 {offsets = [0, 64], sizes = [10000, 64], strides = [1, 1]} : vector<10000x128xbf16> to vector<10000x64xbf16>
    %swap3A_77 = arith.constant 10000 : index
    %swap3A_78 = arith.constant 0 : index
    %swap3A_79 = vector.load %arg15[%swap3A_77, %swap3A_78] : memref<20000x64xbf16, #tpu.memory_space<vmem>>, vector<10000x64xbf16>
    tpu.vector_store %arg15[%swap3A_77, %swap3A_78], %slice3A_76 {strides = array<i32>} : memref<20000x64xbf16, #tpu.memory_space<vmem>>, vector<10000x64xbf16>,
    %get3A_80 = arith.constant 0 : index
    %get3A_81 = arith.constant 0 : index
    %get3A_82 = vector.load %arg10[%get3A_80, %get3A_81] : memref<128x128xf32, #tpu.memory_space<vmem>>, vector<128x128xf32>
    %dot_general3A_83 = arith.constant dense<0.000000e+00> : vector<10000x128xf32>
    %dot_general3A_84 = tpu.matmul %max3A_69, %get3A_82, %dot_general3A_83 {dimension_numbers = #tpu.dot_dimension_numbers<[1], [0], [0], [1], [0, 0, 1, 1], [], []>, transpose_lhs_hint = false} : vector<10000x128xf32>, vector<128x128xf32>, vector<10000x128xf32> -> vector<10000x128xf32>
    %get3A_85 = arith.constant 0 : index
    %get3A_86 = arith.constant 0 : index
    %get3A_87 = vector.load %arg11[%get3A_85, %get3A_86] : memref<1x128xf32, #tpu.memory_space<vmem>>, vector<1x128xf32>
    %add3A_88 = vector.broadcast %get3A_87 : vector<1x128xf32> to vector<10000x128xf32>
    %add3A_89 = arith.addf %dot_general3A_84, %add3A_88 : vector<10000x128xf32>
    %max3A_90 = arith.constant 0.000000e+00 : f32
    %max3A_91 = vector.broadcast %max3A_90 : f32 to vector<10000x128xf32>
    %max3A_92 = arith.maximumf %add3A_89, %max3A_91 : vector<10000x128xf32>
    %iota3A = tpu.iota {dimensions = array<i32: 0>} : vector<64x10000xi32>
    %get3A_93 = arith.constant 0 : index
    %get3A_94 = arith.constant 0 : index
    %get3A_95 = vector.load %arg2[%get3A_93, %get3A_94] : memref<1x10000xi32, #tpu.memory_space<vmem>>, vector<1x10000xi32>
    %eq3A = vector.broadcast %get3A_95 : vector<1x10000xi32> to vector<64x10000xi32>
    %eq3A_96 = arith.cmpi eq, %iota3A, %eq3A : vector<64x10000xi32>
    %convert_element_type3A_97 = arith.extui %eq3A_96 : vector<64x10000xi1> to vector<64x10000xi32>
    %convert_element_type3A_98 = arith.sitofp %convert_element_type3A_97 : vector<64x10000xi32> to vector<64x10000xf32>
    %reduce_sum3A_99 = arith.constant dense<0.000000e+00> : vector<64xf32>
    %reduce_sum3A_100 = vector.multi_reduction <add>, %convert_element_type3A_98, %reduce_sum3A_99 [1] : vector<64x10000xf32> to vector<64xf32>
    %broadcast_in_dim3A_101 = vector.shape_cast %reduce_sum3A_100 : vector<64xf32> to vector<64x1xf32>
    %dot_general3A_102 = arith.constant dense<0.000000e+00> : vector<64x128xf32>
    %dot_general3A_103 = tpu.matmul %convert_element_type3A_98, %max3A_92, %dot_general3A_102 {dimension_numbers = #tpu.dot_dimension_numbers<[1], [0], [0], [1], [0, 0, 1, 1], [], []>, transpose_lhs_hint = false} : vector<64x10000xf32>, vector<10000x128xf32>, vector<64x128xf32> -> vector<64x128xf32>
    %get3A_104 = arith.constant 0 : index
    %get3A_105 = arith.constant 0 : index
    %get3A_106 = vector.load %arg12[%get3A_104, %get3A_105] : memref<128x10xf32, #tpu.memory_space<vmem>>, vector<128x10xf32>
    %dot_general3A_107 = arith.constant dense<0.000000e+00> : vector<64x10xf32>
    %dot_general3A_108 = tpu.matmul %dot_general3A_103, %get3A_106, %dot_general3A_107 {dimension_numbers = #tpu.dot_dimension_numbers<[1], [0], [0], [1], [0, 0, 1, 1], [], []>, transpose_lhs_hint = false} : vector<64x128xf32>, vector<128x10xf32>, vector<64x10xf32> -> vector<64x10xf32>
    %get3A_109 = arith.constant 0 : index
    %get3A_110 = arith.constant 0 : index
    %get3A_111 = vector.load %arg13[%get3A_109, %get3A_110] : memref<1x10xf32, #tpu.memory_space<vmem>>, vector<1x10xf32>
    %mul3A_112 = vector.broadcast %broadcast_in_dim3A_101 : vector<64x1xf32> to vector<64x10xf32>
    %mul3A_113 = vector.broadcast %get3A_111 : vector<1x10xf32> to vector<64x10xf32>
    %mul3A_114 = arith.mulf %mul3A_112, %mul3A_113 : vector<64x10xf32>
    %add3A_115 = arith.addf %dot_general3A_108, %mul3A_114 : vector<64x10xf32>
    %max3A_116 = arith.constant 1.000000e+00 : f32
    %max3A_117 = vector.broadcast %max3A_116 : f32 to vector<64x1xf32>
    %max3A_118 = arith.maximumf %broadcast_in_dim3A_101, %max3A_117 : vector<64x1xf32>
    %div3A_119 = vector.broadcast %max3A_118 : vector<64x1xf32> to vector<64x10xf32>
    %div3A_120 = arith.divf %add3A_115, %div3A_119 : vector<64x10xf32>
    %swap3A_121 = arith.constant 0 : index
    %swap3A_122 = arith.constant 0 : index
    %swap3A_123 = vector.load %arg16[%swap3A_121, %swap3A_122] : memref<64x10xf32, #tpu.memory_space<vmem>>, vector<64x10xf32>
    tpu.vector_store %arg16[%swap3A_121, %swap3A_122], %div3A_120 {strides = array<i32>} : memref<64x10xf32, #tpu.memory_space<vmem>>, vector<64x10xf32>,
    return
  }
}

module attributes {stable_mosaic.version = 14 : i64} {
  func.func @_tc_layer_body(%arg0: memref<10000x128xf32, #tpu.memory_space<vmem>>, %arg1: memref<2x10240x64xbf16, #tpu.memory_space<vmem>>, %arg2: memref<1x10000xi32, #tpu.memory_space<vmem>>, %arg3: memref<1x1xf32, #tpu.memory_space<vmem>>, %arg4: memref<128x128xf32, #tpu.memory_space<vmem>>, %arg5: memref<1x128xf32, #tpu.memory_space<vmem>>, %arg6: memref<128x128xf32, #tpu.memory_space<vmem>>, %arg7: memref<1x128xf32, #tpu.memory_space<vmem>>, %arg8: memref<1x128xf32, #tpu.memory_space<vmem>>, %arg9: memref<1x128xf32, #tpu.memory_space<vmem>>, %arg10: memref<128x128xf32, #tpu.memory_space<vmem>>, %arg11: memref<1x128xf32, #tpu.memory_space<vmem>>, %arg12: memref<128x10xf32, #tpu.memory_space<vmem>>, %arg13: memref<1x10xf32, #tpu.memory_space<vmem>>, %arg14: memref<10000x128xf32, #tpu.memory_space<vmem>>, %arg15: memref<20000x64xbf16, #tpu.memory_space<vmem>>, %arg16: memref<64x10xf32, #tpu.memory_space<vmem>>) attributes {dimension_semantics = [], scalar_prefetch = 0 : i64, scratch_operands = 0 : i64, tpu.core_type = #tpu.core_type<tc>} {
    %get3A = arith.constant 0 : index
    %get3A_0 = arith.constant 0 : index
    %get3A_1 = vector.load %arg0[%get3A, %get3A_0] : memref<10000x128xf32, #tpu.memory_space<vmem>>, vector<10000x128xf32>
    %get3A_2 = arith.constant 0 : index
    %get3A_3 = arith.constant 0 : index
    %get3A_4 = arith.constant 0 : index
    %get3A_5 = vector.load %arg1[%get3A_2, %get3A_3, %get3A_4] : memref<2x10240x64xbf16, #tpu.memory_space<vmem>>, vector<1x10000x64xbf16>
    %get3A_6 = vector.shape_cast %get3A_5 : vector<1x10000x64xbf16> to vector<10000x64xbf16>
    %get3A_7 = arith.constant 1 : index
    %get3A_8 = arith.constant 0 : index
    %get3A_9 = arith.constant 0 : index
    %get3A_10 = vector.load %arg1[%get3A_7, %get3A_8, %get3A_9] : memref<2x10240x64xbf16, #tpu.memory_space<vmem>>, vector<1x10000x64xbf16>
    %get3A_11 = vector.shape_cast %get3A_10 : vector<1x10000x64xbf16> to vector<10000x64xbf16>
    %concatenate3A = tpu.concatenate %get3A_6, %get3A_11 in 1 : vector<10000x64xbf16>, vector<10000x64xbf16> -> vector<10000x128xbf16>
    %convert_element_type3A = arith.extf %concatenate3A : vector<10000x128xbf16> to vector<10000x128xf32>
    %get3A_12 = arith.constant 0 : index
    %get3A_13 = arith.constant 0 : index
    %get3A_14 = vector.load %arg3[%get3A_12, %get3A_13] : memref<1x1xf32, #tpu.memory_space<vmem>>, vector<1x1xf32>
    %get3A_15 = vector.extract %get3A_14[0, 0] : f32 from vector<1x1xf32>
    %add3A = arith.constant 1.000000e+00 : f32
    %add3A_16 = arith.addf %add3A, %get3A_15 : f32
    %mul3A = vector.broadcast %add3A_16 : f32 to vector<10000x128xf32>
    %mul3A_17 = arith.mulf %mul3A, %get3A_1 : vector<10000x128xf32>
    %add3A_18 = arith.addf %mul3A_17, %convert_element_type3A : vector<10000x128xf32>
    %get3A_19 = arith.constant 0 : index
    %get3A_20 = arith.constant 0 : index
    %get3A_21 = vector.load %arg4[%get3A_19, %get3A_20] : memref<128x128xf32, #tpu.memory_space<vmem>>, vector<128x128xf32>
    %dot_general3A = arith.constant dense<0.000000e+00> : vector<10000x128xf32>
    %dot_general3A_22 = tpu.matmul %add3A_18, %get3A_21, %dot_general3A {dimension_numbers = #tpu.dot_dimension_numbers<[1], [0], [0], [1], [0, 0, 1, 1], [], []>, transpose_lhs_hint = false} : vector<10000x128xf32>, vector<128x128xf32>, vector<10000x128xf32> -> vector<10000x128xf32>
    %get3A_23 = arith.constant 0 : index
    %get3A_24 = arith.constant 0 : index
    %get3A_25 = vector.load %arg5[%get3A_23, %get3A_24] : memref<1x128xf32, #tpu.memory_space<vmem>>, vector<1x128xf32>
    %add3A_26 = vector.broadcast %get3A_25 : vector<1x128xf32> to vector<10000x128xf32>
    %add3A_27 = arith.addf %dot_general3A_22, %add3A_26 : vector<10000x128xf32>
    %max3A = arith.constant 0.000000e+00 : f32
    %max3A_28 = vector.broadcast %max3A : f32 to vector<10000x128xf32>
    %max3A_29 = arith.maximumf %add3A_27, %max3A_28 : vector<10000x128xf32>
    %get3A_30 = arith.constant 0 : index
    %get3A_31 = arith.constant 0 : index
    %get3A_32 = vector.load %arg6[%get3A_30, %get3A_31] : memref<128x128xf32, #tpu.memory_space<vmem>>, vector<128x128xf32>
    %dot_general3A_33 = arith.constant dense<0.000000e+00> : vector<10000x128xf32>
    %dot_general3A_34 = tpu.matmul %max3A_29, %get3A_32, %dot_general3A_33 {dimension_numbers = #tpu.dot_dimension_numbers<[1], [0], [0], [1], [0, 0, 1, 1], [], []>, transpose_lhs_hint = false} : vector<10000x128xf32>, vector<128x128xf32>, vector<10000x128xf32> -> vector<10000x128xf32>
    %get3A_35 = arith.constant 0 : index
    %get3A_36 = arith.constant 0 : index
    %get3A_37 = vector.load %arg7[%get3A_35, %get3A_36] : memref<1x128xf32, #tpu.memory_space<vmem>>, vector<1x128xf32>
    %add3A_38 = vector.broadcast %get3A_37 : vector<1x128xf32> to vector<10000x128xf32>
    %add3A_39 = arith.addf %dot_general3A_34, %add3A_38 : vector<10000x128xf32>
    %reduce_sum3A = arith.constant dense<0.000000e+00> : vector<128xf32>
    %reduce_sum3A_40 = vector.multi_reduction <add>, %add3A_39, %reduce_sum3A [0] : vector<10000x128xf32> to vector<128xf32>
    %broadcast_in_dim3A = vector.shape_cast %reduce_sum3A_40 : vector<128xf32> to vector<1x128xf32>
    %div3A = arith.constant 1.000000e+04 : f32
    %div3A_41 = vector.broadcast %div3A : f32 to vector<1x128xf32>
    %div3A_42 = arith.divf %broadcast_in_dim3A, %div3A_41 : vector<1x128xf32>
    %sub3A = vector.broadcast %div3A_42 : vector<1x128xf32> to vector<10000x128xf32>
    %sub3A_43 = arith.subf %add3A_39, %sub3A : vector<10000x128xf32>
    %integer_pow3A = arith.mulf %sub3A_43, %sub3A_43 : vector<10000x128xf32>
    %reduce_sum3A_44 = arith.constant dense<0.000000e+00> : vector<128xf32>
    %reduce_sum3A_45 = vector.multi_reduction <add>, %integer_pow3A, %reduce_sum3A_44 [0] : vector<10000x128xf32> to vector<128xf32>
    %broadcast_in_dim3A_46 = vector.shape_cast %reduce_sum3A_45 : vector<128xf32> to vector<1x128xf32>
    %div3A_47 = arith.constant 1.000000e+04 : f32
    %div3A_48 = vector.broadcast %div3A_47 : f32 to vector<1x128xf32>
    %div3A_49 = arith.divf %broadcast_in_dim3A_46, %div3A_48 : vector<1x128xf32>
    %get3A_50 = arith.constant 0 : index
    %get3A_51 = arith.constant 0 : index
    %get3A_52 = vector.load %arg8[%get3A_50, %get3A_51] : memref<1x128xf32, #tpu.memory_space<vmem>>, vector<1x128xf32>
    %sub3A_53 = vector.broadcast %div3A_42 : vector<1x128xf32> to vector<10000x128xf32>
    %sub3A_54 = arith.subf %add3A_39, %sub3A_53 : vector<10000x128xf32>
    %mul3A_55 = vector.broadcast %get3A_52 : vector<1x128xf32> to vector<10000x128xf32>
    %mul3A_56 = arith.mulf %mul3A_55, %sub3A_54 : vector<10000x128xf32>
    %add3A_57 = arith.constant 9.99999974E-6 : f32
    %add3A_58 = vector.broadcast %add3A_57 : f32 to vector<1x128xf32>
    %add3A_59 = arith.addf %div3A_49, %add3A_58 : vector<1x128xf32>
    %rsqrt3A = math.rsqrt %add3A_59 : vector<1x128xf32>
    %mul3A_60 = vector.broadcast %rsqrt3A : vector<1x128xf32> to vector<10000x128xf32>
    %mul3A_61 = arith.mulf %mul3A_56, %mul3A_60 : vector<10000x128xf32>
    %get3A_62 = arith.constant 0 : index
    %get3A_63 = arith.constant 0 : index
    %get3A_64 = vector.load %arg9[%get3A_62, %get3A_63] : memref<1x128xf32, #tpu.memory_space<vmem>>, vector<1x128xf32>
    %add3A_65 = vector.broadcast %get3A_64 : vector<1x128xf32> to vector<10000x128xf32>
    %add3A_66 = arith.addf %mul3A_61, %add3A_65 : vector<10000x128xf32>
    %max3A_67 = arith.constant 0.000000e+00 : f32
    %max3A_68 = vector.broadcast %max3A_67 : f32 to vector<10000x128xf32>
    %max3A_69 = arith.maximumf %add3A_66, %max3A_68 : vector<10000x128xf32>
    %swap3A = arith.constant 0 : index
    %swap3A_70 = arith.constant 0 : index
    %swap3A_71 = vector.load %arg14[%swap3A, %swap3A_70] : memref<10000x128xf32, #tpu.memory_space<vmem>>, vector<10000x128xf32>
    tpu.vector_store %arg14[%swap3A, %swap3A_70], %max3A_69 {strides = array<i32>} : memref<10000x128xf32, #tpu.memory_space<vmem>>, vector<10000x128xf32>,
    %convert_element_type3A_72 = arith.truncf %max3A_69 : vector<10000x128xf32> to vector<10000x128xbf16>
    %slice3A = vector.extract_strided_slice %convert_element_type3A_72 {offsets = [0, 0], sizes = [10000, 64], strides = [1, 1]} : vector<10000x128xbf16> to vector<10000x64xbf16>
    %swap3A_73 = arith.constant 0 : index
    %swap3A_74 = arith.constant 0 : index
    %swap3A_75 = vector.load %arg15[%swap3A_73, %swap3A_74] : memref<20000x64xbf16, #tpu.memory_space<vmem>>, vector<10000x64xbf16>
    tpu.vector_store %arg15[%swap3A_73, %swap3A_74], %slice3A {strides = array<i32>} : memref<20000x64xbf16, #tpu.memory_space<vmem>>, vector<10000x64xbf16>,
    %slice3A_76 = vector.extract_strided_slice %convert_element_type3A_72 {offsets = [0, 64], sizes = [10000, 64], strides = [1, 1]} : vector<10000x128xbf16> to vector<10000x64xbf16>
    %swap3A_77 = arith.constant 10000 : index
    %swap3A_78 = arith.constant 0 : index
    %swap3A_79 = vector.load %arg15[%swap3A_77, %swap3A_78] : memref<20000x64xbf16, #tpu.memory_space<vmem>>, vector<10000x64xbf16>
    tpu.vector_store %arg15[%swap3A_77, %swap3A_78], %slice3A_76 {strides = array<i32>} : memref<20000x64xbf16, #tpu.memory_space<vmem>>, vector<10000x64xbf16>,
    %get3A_80 = arith.constant 0 : index
    %get3A_81 = arith.constant 0 : index
    %get3A_82 = vector.load %arg10[%get3A_80, %get3A_81] : memref<128x128xf32, #tpu.memory_space<vmem>>, vector<128x128xf32>
    %dot_general3A_83 = arith.constant dense<0.000000e+00> : vector<10000x128xf32>
    %dot_general3A_84 = tpu.matmul %max3A_69, %get3A_82, %dot_general3A_83 {dimension_numbers = #tpu.dot_dimension_numbers<[1], [0], [0], [1], [0, 0, 1, 1], [], []>, transpose_lhs_hint = false} : vector<10000x128xf32>, vector<128x128xf32>, vector<10000x128xf32> -> vector<10000x128xf32>
    %get3A_85 = arith.constant 0 : index
    %get3A_86 = arith.constant 0 : index
    %get3A_87 = vector.load %arg11[%get3A_85, %get3A_86] : memref<1x128xf32, #tpu.memory_space<vmem>>, vector<1x128xf32>
    %add3A_88 = vector.broadcast %get3A_87 : vector<1x128xf32> to vector<10000x128xf32>
    %add3A_89 = arith.addf %dot_general3A_84, %add3A_88 : vector<10000x128xf32>
    %max3A_90 = arith.constant 0.000000e+00 : f32
    %max3A_91 = vector.broadcast %max3A_90 : f32 to vector<10000x128xf32>
    %max3A_92 = arith.maximumf %add3A_89, %max3A_91 : vector<10000x128xf32>
    %iota3A = tpu.iota {dimensions = array<i32: 0>} : vector<64x10000xi32>
    %get3A_93 = arith.constant 0 : index
    %get3A_94 = arith.constant 0 : index
    %get3A_95 = vector.load %arg2[%get3A_93, %get3A_94] : memref<1x10000xi32, #tpu.memory_space<vmem>>, vector<1x10000xi32>
    %eq3A = vector.broadcast %get3A_95 : vector<1x10000xi32> to vector<64x10000xi32>
    %eq3A_96 = arith.cmpi eq, %iota3A, %eq3A : vector<64x10000xi32>
    %convert_element_type3A_97 = arith.extui %eq3A_96 : vector<64x10000xi1> to vector<64x10000xi32>
    %convert_element_type3A_98 = arith.sitofp %convert_element_type3A_97 : vector<64x10000xi32> to vector<64x10000xf32>
    %reduce_sum3A_99 = arith.constant dense<0.000000e+00> : vector<64xf32>
    %reduce_sum3A_100 = vector.multi_reduction <add>, %convert_element_type3A_98, %reduce_sum3A_99 [1] : vector<64x10000xf32> to vector<64xf32>
    %broadcast_in_dim3A_101 = vector.shape_cast %reduce_sum3A_100 : vector<64xf32> to vector<64x1xf32>
    %dot_general3A_102 = arith.constant dense<0.000000e+00> : vector<64x128xf32>
    %dot_general3A_103 = tpu.matmul %convert_element_type3A_98, %max3A_92, %dot_general3A_102 {dimension_numbers = #tpu.dot_dimension_numbers<[1], [0], [0], [1], [0, 0, 1, 1], [], []>, transpose_lhs_hint = false} : vector<64x10000xf32>, vector<10000x128xf32>, vector<64x128xf32> -> vector<64x128xf32>
    %get3A_104 = arith.constant 0 : index
    %get3A_105 = arith.constant 0 : index
    %get3A_106 = vector.load %arg12[%get3A_104, %get3A_105] : memref<128x10xf32, #tpu.memory_space<vmem>>, vector<128x10xf32>
    %dot_general3A_107 = arith.constant dense<0.000000e+00> : vector<64x10xf32>
    %dot_general3A_108 = tpu.matmul %dot_general3A_103, %get3A_106, %dot_general3A_107 {dimension_numbers = #tpu.dot_dimension_numbers<[1], [0], [0], [1], [0, 0, 1, 1], [], []>, transpose_lhs_hint = false} : vector<64x128xf32>, vector<128x10xf32>, vector<64x10xf32> -> vector<64x10xf32>
    %get3A_109 = arith.constant 0 : index
    %get3A_110 = arith.constant 0 : index
    %get3A_111 = vector.load %arg13[%get3A_109, %get3A_110] : memref<1x10xf32, #tpu.memory_space<vmem>>, vector<1x10xf32>
    %mul3A_112 = vector.broadcast %broadcast_in_dim3A_101 : vector<64x1xf32> to vector<64x10xf32>
    %mul3A_113 = vector.broadcast %get3A_111 : vector<1x10xf32> to vector<64x10xf32>
    %mul3A_114 = arith.mulf %mul3A_112, %mul3A_113 : vector<64x10xf32>
    %add3A_115 = arith.addf %dot_general3A_108, %mul3A_114 : vector<64x10xf32>
    %max3A_116 = arith.constant 1.000000e+00 : f32
    %max3A_117 = vector.broadcast %max3A_116 : f32 to vector<64x1xf32>
    %max3A_118 = arith.maximumf %broadcast_in_dim3A_101, %max3A_117 : vector<64x1xf32>
    %div3A_119 = vector.broadcast %max3A_118 : vector<64x1xf32> to vector<64x10xf32>
    %div3A_120 = arith.divf %add3A_115, %div3A_119 : vector<64x10xf32>
    %swap3A_121 = arith.constant 0 : index
    %swap3A_122 = arith.constant 0 : index
    %swap3A_123 = vector.load %arg16[%swap3A_121, %swap3A_122] : memref<64x10xf32, #tpu.memory_space<vmem>>, vector<64x10xf32>
    tpu.vector_store %arg16[%swap3A_121, %swap3A_122], %div3A_120 {strides = array<i32>} : memref<64x10xf32, #tpu.memory_space<vmem>>, vector<64x10xf32>,
    return
  }
}

</mosaic_0001>

<sc_bundles>
// kernel: kernel.11.cloned.1.call-start
scs
__scs_entry_jumppad:
0x0: {  	(pc) =	sbr.rel $0x88, $3  }
0x1: {  	(tag) =	ssettag $0x0;
	lr =	simm.s32 $0x1  }
0x2: {  	[smem:$0x3F93] =	sst lr;
	_ =	strace $0xD0000000  }
0x3: {  	_ = 	snop  }
0x4: {  	_ = 	snop  }
0x5: {  	_ = 	snop  }
0x6: {  	_ = 	snop  }
0x7: {  	_ = 	snop  }
__scs_overlays_trampoline_lowered:
0x8: {  	[smem:$0x3FA2] =	sst s0  }
0x9: {  	[smem:$0x3FA3] =	sst s1  }
0xa: {  	[smem:$0x3FA4] =	sst s2  }
0xb: {  	[smem:$0x3FA5] =	sst s3  }
0xc: {  	[smem:$0x3FA6] =	sst s4  }
0xd: {  	[smem:$0x3FA7] =	sst s5  }
0xe: {  	[smem:$0x3FA8] =	sst s6  }
0xf: {  	[smem:$0x3FA9] =	sst s7  }
0x10: {  	[smem:$0x3FAA] =	sst s8  }
0x11: {  	[smem:$0x3FAB] =	sst s9;
	s0 =	simm.s32 @!p0 $0x0  }
0x12: {  	s1 =	sld [smem:$0x3F91];
	s0 =	simm.s32 @p0 $0x1  }
0x13: {  	[smem:$0x3FAC] =	sst s0;
	s0 =	simm.s32 @!p1 $0x0  }
0x14: {  	s2 =	sld [smem:$0x3F90];
	s0 =	simm.s32 @p1 $0x1  }
0x15: {  	[smem:$0x3FAD] =	sst s0;
	s0 =	simm.s32 @!p2 $0x0  }
0x16: {  	s3 =	sld [smem:$0x3FDB];
	s0 =	simm.s32 @p2 $0x1  }
0x17: {  	s4 =	simm.s32 $0x1BF5;
	[smem:$0x3FAF] =	sst s0  }
0x18: {  	s0 =	sld [smem:$0x3F92];
	_ =	swait.ge [sflag:s4], $0x0  }
0x19: {  	s7 =	sld [smem:$0x3F93]  }
0x1a: {  	s8 =	sadd.s32 $0xFFFFE003, lr  }
0x1b: {  	s9 =	sadd.s32 $0xFFFFFEF7, lr;
	s5 =	simm.s32 $0xFFFFFFFF;
	p2 =	slt.u32 s8, $0xFFFFF086  }
0x1c: {  	p1 =	slt.u32 s9, $0xF7A;
	s5 =	simm.s32 @!p2 $0x0  }
0x1d: {  	s5 =	simm.s32 @p1 $0x1;
	p0 =	seq.s32 s7, s2  }
0x1e: {  	s7 =	smul.u32 @!p0 $0xF7A, s2;
	p2 =	seq.s32 @!p0 s5, $0x0  }
0x1f: {  	s9 =	smul.u32 $0xF7A, s1;
	s8 =	simm.s32 @!p0 $0x1BF5;
	p2 =	por !p2, p0  }
0x20: {  	[sflag:s8] =	ssyncset.s32 @!p0 $0xFFFFF086;
	s6 =	sadd.s32 @!p0 s3, s7;
	s7 =	simm.s32 @!p0 $0x108  }
0x21: {  	s3 =	sadd.s32 s3, s9;
	s6 =	sadd.s32 @!p0 $0x88, s6;
	s7 =	simm.s32 @p2 $0x1082  }
0x22: {  	[simem:s7], [sflag:s8] =	dma.local @!p0 [hbm:s6], $0xF7A  }
0x23: {  	s9 =	sor.u32 $0xD0000000, s2;
	s6 =	simm.s32 $0x108;
	_ =	swait.ge @!p0 [sflag:s8], $0x0  }
0x24: {  	s3 =	sadd.s32 $0x88, s3;
	s6 =	simm.s32 @!p1 $0x1082;
	[sflag:s4] =	ssyncset.s32 $0xFFFFF086  }
0x25: {  	[simem:s6], [sflag:s4] =	dma.local [hbm:s3], $0xF7A  }
0x26: {  	[smem:$0x3F93] =	sst s1;
	(tag) =	ssettag s2;
	_ =	strace s9  }
0x27: {  	s1 =	sld [smem:$0x3FA3]  }
0x28: {  	s2 =	sld [smem:$0x3FA4]  }
0x29: {  	s4 =	sld [smem:$0x3FA6]  }
0x2a: {  	p0 =	seq.s32 s5, $0x0;
	s5 =	sld [smem:$0x3FA7]  }
0x2b: {  	s6 =	sld [smem:$0x3FA8]  }
0x2c: {  	s7 =	sld [smem:$0x3FA9]  }
0x2d: {  	s3 =	simm.s32 $0x108;
	s8 =	sld [smem:$0x3FAA]  }
0x2e: {  	s3 =	simm.s32 @!p0 $0x1082;
	s9 =	sld [smem:$0x3FAB]  }
0x2f: {  	lr =	sadd.s32 s0, s3;
	s0 =	sld [smem:$0x3FA2]  }
0x30: {  	s3 =	sld [smem:$0x3FA5]  }
0x31: {  	[smem:$0x3FAE] =	sst s10  }
0x32: {  	s10 =	sld [smem:$0x3FAC];
	_ =	sdelay $0x3  }
0x33: {  	p0 =	seq.s32 s10, $0x1;
	s10 =	sld [smem:$0x3FAE];
	_ =	sdelay $0x3  }
0x34: {  	[smem:$0x3FAE] =	sst s10  }
0x35: {  	s10 =	sld [smem:$0x3FAD];
	_ =	sdelay $0x3  }
0x36: {  	p1 =	seq.s32 s10, $0x1;
	s10 =	sld [smem:$0x3FAE];
	_ =	sdelay $0x3  }
0x37: {  	[smem:$0x3FAE] =	sst s10  }
0x38: {  	s10 =	sld [smem:$0x3FAF]  }
0x39: {  	_ = 	snop;
	(pc) =	sbr.ind lr, $3  }
0x3a: {  	_ = 	snop  }
0x3b: {  	_ = 	snop  }
0x3c: {  	p2 =	seq.s32 s10, $0x1;
	s10 =	sld [smem:$0x3FAE]  }
0x3d: {  	_ =	shalt  }
0x3e: {  	_ =	shalt  }
0x3f: {  	_ =	shalt  }
0x40: {  	_ =	shalt  }
0x41: {  	_ =	shalt  }
0x42: {  	_ =	shalt  }
0x43: {  	_ =	shalt  }
0x44: {  	_ =	shalt  }
0x45: {  	_ =	shalt  }
0x46: {  	_ =	shalt  }
0x47: {  	_ =	shalt  }
0x48: {  	_ =	shalt  }
0x49: {  	_ =	shalt  }
0x4a: {  	_ =	shalt  }
0x4b: {  	_ =	shalt  }
0x4c: {  	_ =	shalt  }
0x4d: {  	_ =	shalt  }
0x4e: {  	_ =	shalt  }
0x4f: {  	_ =	shalt  }
0x50: {  	_ =	shalt  }
0x51: {  	_ =	shalt  }
0x52: {  	_ =	shalt  }
0x53: {  	_ =	shalt  }
0x54: {  	_ =	shalt  }
0x55: {  	_ =	shalt  }
0x56: {  	_ =	shalt  }
0x57: {  	_ =	shalt  }
0x58: {  	_ =	shalt  }
0x59: {  	_ =	shalt  }
0x5a: {  	_ =	shalt  }
0x5b: {  	_ =	shalt  }
0x5c: {  	_ =	shalt  }
0x5d: {  	_ =	shalt  }
0x5e: {  	_ =	shalt  }
0x5f: {  	_ =	shalt  }
0x60: {  	_ =	shalt  }
0x61: {  	_ =	shalt  }
0x62: {  	_ =	shalt  }
0x63: {  	_ =	shalt  }
0x64: {  	_ =	shalt  }
0x65: {  	_ =	shalt  }
0x66: {  	_ =	shalt  }
0x67: {  	_ =	shalt  }
0x68: {  	_ =	shalt  }
0x69: {  	_ =	shalt  }
0x6a: {  	_ =	shalt  }
0x6b: {  	_ =	shalt  }
0x6c: {  	_ =	shalt  }
0x6d: {  	_ =	shalt  }
0x6e: {  	_ =	shalt  }
0x6f: {  	_ =	shalt  }
0x70: {  	_ =	shalt  }
0x71: {  	_ =	shalt  }
0x72: {  	_ =	shalt  }
0x73: {  	_ =	shalt  }
0x74: {  	_ =	shalt  }
0x75: {  	_ =	shalt  }
0x76: {  	_ =	shalt  }
0x77: {  	_ =	shalt  }
0x78: {  	_ =	shalt  }
0x79: {  	_ =	shalt  }
0x7a: {  	_ =	shalt  }
0x7b: {  	_ =	shalt  }
0x7c: {  	_ =	shalt  }
0x7d: {  	_ =	shalt  }
0x7e: {  	_ =	shalt  }
0x7f: {  	_ =	shalt  }
0x80: {  	_ =	shalt  }
0x81: {  	_ =	shalt  }
0x82: {  	_ =	shalt  }
0x83: {  	_ =	shalt  }
0x84: {  	_ =	shalt  }
0x85: {  	_ =	shalt  }
0x86: {  	_ =	shalt  }
0x87: {  	_ =	shalt  }
.Lfunc_end0:
.L_simem_size_0:
called_computation.1_lowered:
.L_overlay_start_0:
0x88: {  	s2 =	sld [smem:$0x3FD9]  }
0x89: {  	s3 =	sld [smem:$0x3FFE];
	_ =	sdelay $0x1  }
0x8a: {  	s1 =	srdreg.scid  }
0x8b: {  	s0 =	sand.u32 $0x1, s1  }
0x8c: {  	s16 =	sshll.u32 s0, $0xA;
	s2 =	sadd.s32 s3, s2  }
0x8d: {  	s2 =	sadd.s32 s2, s16  }
0x8e: {  	[smem:$0x3FBA] =	sst s2  }
0x8f: {  	_ = 	snop  }
0x90: {  	(tm) =	ssettm $0x1  }
0x91: {  	s17 =	sld [smem:$0x3FFB];
	_ =	sdelay $0x3  }
0x92: {  	_ =	strace s17  }
0x93: {  	s2 =	sld [smem:$0x3FFC];
	_ =	sdelay $0x3  }
0x94: {  	_ =	strace s2  }
0x95: {  	s2 =	sld [smem:$0x3FFD];
	_ =	sdelay $0x3  }
0x96: {  	_ =	strace s2  }
0x97: {  	_ =	strace $0x8FFFFFFF  }
0x98: {  	s18 =	sld [smem:$0x3FDB];
	_ =	sdelay $0x1  }
0x99: {  	s19 =	simm.s32 $_scs_section_size  }
0x9a: {  	s4 =	simm.s32 $_size__tile_overlayer_lowered;
	s5 =	simm.s32 $_tile_overlayer_lowered  }
0x9b: {  	s22 =	simm.s32 $0x1BFF;
	s21 =	sshll.u32 s5, $0x1;
	s2 =	sadd.s32 s19, s18  }
0x9c: {  	s6 =	simm.s32 $0x0;
	s20 =	sshll.u32 s4, $0x1;
	s4 =	sadd.s32 s21, s2  }
0x9d: {  	[timem:s6], [sflag:s22] =	dma.local [hbm:s4], s20  }
0x9e: {  	_ =	swait.ge [sflag:s22], s20  }
0x9f: {  	s3 =	ssub.s32 $0x0, s20;
	[sflag:s22] =	ssyncset.done $0x0  }
0xa0: {  	[sflag:s22] =	ssyncadd.s32 s3;
	_ =	sdelay $0x1  }
0xa1: {  	s23 =	simm.s32 $0x1B8B  }
0xa2: {  	_ =	swait.ge [sflag:s23], $0x1  }
0xa3: {  	[sflag:s23] =	ssyncset.done $0x0  }
0xa4: {  	s25 =	simm.s32 $0x1B8E;
	s24 =	sld [smem:$0x3FFE];
	[sflag:s23] =	ssyncadd.s32 $0xFFFFFFFF  }
0xa5: {  	s26 =	simm.s32 $execute0_lowered;
	[smem:$0x3FD2] =	sst s25  }
0xa6: {  	s4 =	sshll.u32 s26, $0x1;
	_ =	strace $0x80000049;
	[dreg:$0x1] =	wrdreg $0xFFFFFFFF  }
0xa7: {  	s28 =	simm.s32 $_size_execute0_lowered;
	s2 =	sadd.s32 s2, s4;
	[dreg:$0x0] =	wrdreg $0x0  }
0xa8: {  	s4 =	sshll.u32 s28, $0x1;
	[dreg:$0x2] =	wrdreg s2  }
0xa9: {  	[dreg:$0x3] =	wrdreg s4  }
0xaa: {  	[dreg:$0x4] =	wrdreg $0xC0  }
0xab: {  	_ =	task [dreg:s6], $0x5FFFF  }
0xac: {  	[dreg:$0x1] =	wrdreg $0xFFFFFFFF  }
0xad: {  	[dreg:$0x0] =	wrdreg $0x60  }
0xae: {  	[dreg:$0x2] =	wrdreg s24  }
0xaf: {  	[dreg:$0x3] =	wrdreg $0xC6000  }
0xb0: {  	[dreg:$0x4] =	wrdreg $0x9  }
0xb1: {  	_ =	task.clear_ibuf [dreg:s6], $0x5FFFF;
	_ =	strace $0x90000049  }
0xb2: {  	s29 =	simm.s32 $0x9;
	_ =	strace $0x8000004B  }
0xb3: {  	_ =	swait.ge [sflag:s29], $0x1  }
0xb4: {  	[sflag:s29] =	ssyncadd.s32 $0xFFFFFFFF  }
0xb5: {  	_ =	strace $0x9000004B  }
0xb6: {  	_ =	sfence  }
0xb7: {  	s30 =	sld [smem:$0x0];
	_ =	sdelay $0x2  }
0xb8: {  	s31 =	sshll.u32 s1, $0xD;
	s1 =	sshrl.u32 s1, $0x2  }
0xb9: {  	s3 =	sand.u32 $0x4000, s31;
	s1 =	sadd.s32 s1, s30  }
0xba: {  	s0 =	sor.u32 s3, s0;
	s1 =	sshll.u32 s1, $0x11  }
0xbb: {  	s0 =	sor.u32 s1, s0  }
0xbc: {  	s0 =	sadd.s32 $0x8F2B, s0  }
0xbd: {  	[sflag:s0] =	ssyncadd.remote.s32 $0x1  }
0xbe: {  	_ =	sfence.sel $0xFFFF  }
0xbf: {  	[dreg:$0x0] =	wrdreg $0xFFFFFFFF;
	(pc) =	sbr.abs _section_cstart, $3  }
0xc0: {  	[dreg:$0x1] =	wrdreg $0xFFFFFFFF  }
0xc1: {  	_ =	task.clear_ibuf [dreg:s6], $0x2FFFF;
	_ =	strace $0x9FFFFFFF  }
0xc2: {  	(tm) =	ssettm $0x7FFFFFFF  }
0xc3: {  	_ =	shalt  }
tec
execute0_lowered:
.L_overlay_start_1:
0x0: {  	(tag) =	ssettag $0x1  }
0x1: {  	s1 =	srdreg.scid;
	s5 =	rddreg [dreg:$0x0]  }
0x2: {  	s0 =	stileid.u32;
	s2 =	rddreg [dreg:$0x1]  }
0x3: {  	s3 =	simm.s32 $0x0;
	s19 =	simm.s32 $0xBE00;
	s7 =	smul.u32 $0x4F00, s0  }
0x4: {  	s20 =	simm.s32 $0x2;
	s21 =	simm.s32 $0x4F00;
	s8 =	smul.u32 $0xA000, s0  }
0x5: {  	s22 =	simm.s32 $0x100;
	s6 =	sand.u32 $0x1, s1;
	s11 =	smul.u32 $0x14000, s0  }
0x6: {  	s23 =	simm.s32 $0x9E00;
	s1 =	rddreg [dreg:$0x2];
	s4 =	smul.u32 $0x4F000, s6  }
0x7: {  	s24 =	simm.s32 $0x1;
	[smem:$0x7FF] =	sst s3;
	s10 =	smul.u32 $0xA0000, s6  }
0x8: {  	_ =	strace $0x8000004A;
	s29 =	ssub.s32 $0x2, s6;
	s30 =	sshrl.u32 s11, $0x2  }
0x9: {  	s31 =	sshrl.u32 s29, $0x1;
	s9 =	sadd.s32 s7, s4;
	s4 =	sadd.s32 $0x17800, s5  }
0xa: {  	s7 =	sshrl.u32 s7, $0x3;
	s10 =	sadd.s32 s8, s10;
	s8 =	sshrl.u32 s8, $0x1  }
0xb: {  	s14 =	sadd.s32 s30, s2;
	s18 =	ssub.s32 s29, s31;
	s9 =	sshrl.u32 s9, $0x3  }
0xc: {  	s16 =	sadd.s32 s7, s5;
	s28 =	sshrl.u32 s10, $0x4;
	s6 =	sadd.s32 $0x800, s14  }
0xd: {  	s7 =	sadd.s32 $0x1000, s14;
	s10 =	sadd.s32 $0x2800, s14;
	s11 =	sadd.s32 $0x3000, s14  }
0xe: {  	s12 =	sadd.s32 $0x3800, s14;
	s13 =	sadd.s32 $0x4000, s14;
	s18 =	smax.u32 s18, $0x1  }
0xf: {  	s15 =	sadd.s32 s9, s5;
	s17 =	sadd.s32 s28, s5;
	s5 =	sadd.s32 s8, s2  }
0x10: {  	s8 =	sadd.s32 $0x1800, s14;
	s9 =	sadd.s32 $0x2000, s14;
	s14 =	sadd.s32 $0x4800, s14  }
0x11: {  	v0 =	vimm.bf16 $0.0e+00;
	s16 =	sadd.s32 $0x2B200, s16;
	s15 =	sadd.s32 $0x3C00, s15;
	s17 =	sadd.s32 $0x35000, s17  }
.LBB2_1:
0x12: {  	s25 =	simm.s32 $0x80;
	s26 =	simm.s32 $0x0  }
.LBB2_2:
0x13: {  	p0 =	sne.s32 s25, $0x1F80;
	[tilespmem:s26+$0xBE00] =	vst v0;
	s28 =	smov.u32 s25;
	s25 =	sadd.s32 $0x80, s25  }
.Ltmp0:
0x14: {  	[tilespmem:s26+$0xBE10] =	vst v0;
	(pc) =	sbr.rel @p0 .LBB2_2-.Ltmp0, $2  }
0x15: {  	_ =	sdelay $0x2  }
0x16: {  	s26 =	sshra.s32 s28, $0x2  }
0x17: {  	[tilespmem:s26+$0xBE00] =	vst v0  }
0x18: {  	[tilespmem:s26+$0xBE10] =	vst v0  }
0x19: {  	[spmem:s5] =	stream.linear.scatter [tilespmem:s19], [sflag:$0x2], $0x800, $0x38;
	[tilespmem:$0x11600] =	vst v63  }
0x1a: {  	_ =	swait.ge [sflag:s20], $0x800  }
0x1b: {  	[sflag:s20] =	ssyncset.done $0x0  }
0x1c: {  	[sflag:s20] =	ssyncadd.s32 $0xFFFFF800  }
0x1d: {  	[spmem:s6] =	stream.linear.scatter [tilespmem:s19], [sflag:$0x2], $0x800, $0x38;
	[tilespmem:$0x11600] =	vst v63  }
0x1e: {  	_ =	swait.ge [sflag:s20], $0x800  }
0x1f: {  	[sflag:s20] =	ssyncset.done $0x0  }
0x20: {  	[sflag:s20] =	ssyncadd.s32 $0xFFFFF800  }
0x21: {  	[spmem:s7] =	stream.linear.scatter [tilespmem:s19], [sflag:$0x2], $0x800, $0x38;
	[tilespmem:$0x11600] =	vst v63  }
0x22: {  	_ =	swait.ge [sflag:s20], $0x800  }
0x23: {  	[sflag:s20] =	ssyncset.done $0x0  }
0x24: {  	[sflag:s20] =	ssyncadd.s32 $0xFFFFF800  }
0x25: {  	[spmem:s8] =	stream.linear.scatter [tilespmem:s19], [sflag:$0x2], $0x800, $0x38;
	[tilespmem:$0x11600] =	vst v63  }
0x26: {  	_ =	swait.ge [sflag:s20], $0x800  }
0x27: {  	[sflag:s20] =	ssyncset.done $0x0  }
0x28: {  	[sflag:s20] =	ssyncadd.s32 $0xFFFFF800  }
0x29: {  	[spmem:s9] =	stream.linear.scatter [tilespmem:s19], [sflag:$0x2], $0x800, $0x38;
	[tilespmem:$0x11600] =	vst v63  }
0x2a: {  	_ =	swait.ge [sflag:s20], $0x800  }
0x2b: {  	[sflag:s20] =	ssyncset.done $0x0  }
0x2c: {  	[sflag:s20] =	ssyncadd.s32 $0xFFFFF800  }
0x2d: {  	[spmem:s10] =	stream.linear.scatter [tilespmem:s19], [sflag:$0x2], $0x800, $0x38;
	[tilespmem:$0x11600] =	vst v63  }
0x2e: {  	_ =	swait.ge [sflag:s20], $0x800  }
0x2f: {  	[sflag:s20] =	ssyncset.done $0x0  }
0x30: {  	[sflag:s20] =	ssyncadd.s32 $0xFFFFF800  }
0x31: {  	[spmem:s11] =	stream.linear.scatter [tilespmem:s19], [sflag:$0x2], $0x800, $0x38;
	[tilespmem:$0x11600] =	vst v63  }
0x32: {  	_ =	swait.ge [sflag:s20], $0x800  }
0x33: {  	[sflag:s20] =	ssyncset.done $0x0  }
0x34: {  	[sflag:s20] =	ssyncadd.s32 $0xFFFFF800  }
0x35: {  	[spmem:s12] =	stream.linear.scatter [tilespmem:s19], [sflag:$0x2], $0x800, $0x38;
	[tilespmem:$0x11600] =	vst v63  }
0x36: {  	_ =	swait.ge [sflag:s20], $0x800  }
0x37: {  	[sflag:s20] =	ssyncset.done $0x0  }
0x38: {  	[sflag:s20] =	ssyncadd.s32 $0xFFFFF800  }
0x39: {  	[spmem:s13] =	stream.linear.scatter [tilespmem:s19], [sflag:$0x2], $0x800, $0x38;
	[tilespmem:$0x11600] =	vst v63  }
0x3a: {  	_ =	swait.ge [sflag:s20], $0x800  }
0x3b: {  	[sflag:s20] =	ssyncset.done $0x0  }
0x3c: {  	[sflag:s20] =	ssyncadd.s32 $0xFFFFF800  }
0x3d: {  	[spmem:s14] =	stream.linear.scatter [tilespmem:s19], [sflag:$0x2], $0x800, $0x38;
	[tilespmem:$0x11600] =	vst v63  }
0x3e: {  	_ =	swait.ge [sflag:s20], $0x800  }
0x3f: {  	[sflag:s20] =	ssyncset.done $0x0  }
0x40: {  	s25 =	simm.s32 $0x0;
	[sflag:s20] =	ssyncadd.s32 $0xFFFFF800  }
0x41: {  	[tilespmem:s25], [sflag:$0x2] =	stream.linear.gather [hbm4b:s15+s25], $0x4F00, $0x38;
	[tilespmem:$0x11600] =	vst v63  }
0x42: {  	_ =	swait.ge [sflag:s20], $0x4F00  }
0x43: {  	[sflag:s20] =	ssyncset.done $0x0  }
0x44: {  	[sflag:s20] =	ssyncadd.s32 $0xFFFFB100  }
0x45: {  	[tilespmem:s21], [sflag:$0x2] =	stream.linear.gather [hbm4b:s16+s25], $0x4F00, $0x38;
	[tilespmem:$0x11600] =	vst v63  }
0x46: {  	_ =	swait.ge [sflag:s20], $0x4F00  }
0x47: {  	[sflag:s20] =	ssyncset.done $0x0  }
0x48: {  	[sflag:s20] =	ssyncadd.s32 $0xFFFFB100  }
0x49: {  	s30 =	simm.s32 $0x0;
	[bflag:$0x0] =	sbarrier.arrive $0xFFFF  }
0x4a: {  	[tilespmem:s23], [sflag:$0x1] =	stream.indirect.gather [hbm4b:s4+s22], $0x20, s30, s22, $0xb8;
	[tilespmem:$0x11600] =	vst v63  }
0x4b: {  	_ =	swait.ge [sflag:s24], $0x2000  }
0x4c: {  	[sflag:s24] =	ssyncset.done $0x0  }
0x4d: {  	s31 =	simm.s32 $0x4F00;
	[sflag:s24] =	ssyncadd.s32 $0xFFFFE000  }
0x4e: {  	[spmem:s2] =	stream.indirect.scatter.add.bf16 [tilespmem:s23], [sflag:$0x2], $0x20, s31, s22, $0xb8;
	[tilespmem:$0x11600] =	vst v63  }
0x4f: {  	_ =	swait.ge [sflag:s20], $0x2000  }
0x50: {  	s26 =	simm.s32 $0x800;
	s25 =	simm.s32 $0x400;
	[sflag:s20] =	ssyncset.done $0x0  }
.LBB2_4:
0x51: {  	s28 =	sshra.s32 s25, $0x2  }
0x52: {  	[sflag:s20] =	ssyncadd.s32 $0xFFFFE000;
	s25 =	smov.u32 s26;
	s29 =	sadd.s32 $0x400, s26  }
0x53: {  	[tilespmem:s23], [sflag:$0x1] =	stream.indirect.gather [hbm4b:s4+s22], $0x20, s28, s22, $0xb8;
	[tilespmem:$0x11600] =	vst v63  }
0x54: {  	p0 =	sne.s32 s26, $0x13800;
	_ =	swait.ge [sflag:s24], $0x2000  }
.Ltmp1:
0x55: {  	[sflag:s24] =	ssyncset.done $0x0;
	(pc) =	sbr.rel @p0 .LBB2_4-.Ltmp1, $4  }
0x56: {  	s26 =	sadd.s32 $0x4F00, s28;
	[sflag:s24] =	ssyncadd.s32 $0xFFFFE000  }
0x57: {  	[spmem:s2] =	stream.indirect.scatter.add.bf16 [tilespmem:s23], [sflag:$0x2], $0x20, s26, s22, $0xb8;
	[tilespmem:$0x11600] =	vst v63  }
0x58: {  	_ =	swait.ge [sflag:s20], $0x2000  }
0x59: {  	s26 =	smov.u32 s29;
	[sflag:s20] =	ssyncset.done $0x0  }
0x5a: {  	s25 =	sshra.s32 s25, $0x2;
	[sflag:s20] =	ssyncadd.s32 $0xFFFFE000  }
0x5b: {  	[tilespmem:s23], [sflag:$0x1] =	stream.indirect.gather [hbm4b:s4+s22], $0x20, s25, s22, $0xb8;
	[tilespmem:$0x11600] =	vst v63  }
0x5c: {  	_ =	swait.ge [sflag:s24], $0x2000  }
0x5d: {  	[sflag:s24] =	ssyncset.done $0x0  }
0x5e: {  	s25 =	sadd.s32 $0x4F00, s25;
	[sflag:s24] =	ssyncadd.s32 $0xFFFFE000  }
0x5f: {  	[spmem:s2] =	stream.indirect.scatter.add.bf16 [tilespmem:s23], [sflag:$0x2], $0x20, s25, s22, $0xb8;
	[tilespmem:$0x11600] =	vst v63  }
0x60: {  	_ =	swait.ge [sflag:s20], $0x2000  }
0x61: {  	s31 =	sshll.u32 s0, $0x6;
	s3 =	sadd.s32 $0x1, s3;
	[sflag:s20] =	ssyncset.done $0x0  }
0x62: {  	s26 =	sshrl.u32 s5, $0x3;
	p0 =	sne.s32 s3, s18;
	[sflag:s20] =	ssyncadd.s32 $0xFFFFE000  }
.Ltmp2:
0x63: {  	s25 =	sor.u32 $0x1C02, s31;
	[bflag:$0x0] =	sbarrier.arrive $0xFFFF;
	(pc) =	sbr.rel @p0 .LBB2_1-.Ltmp2, $4  }
0x64: {  	[hbm:s17], [sflag:s25] =	dma.local [spmem:s26], $0xA00  }
0x65: {  	_ =	swait.ge [sflag:s20], $0xA00  }
0x66: {  	[sflag:s20] =	ssyncset.done $0x0  }
0x67: {  	[sflag:s20] =	ssyncadd.s32 $0xFFFFF600  }
0x68: {  	_ =	sfence.sel $0x180000  }
0x69: {  	[bflag:$0x0] =	sbarrier.arrive $0xFFFF  }
0x6a: {  	p0 =	sne.s32 s0, $0x0;
	_ =	strace $0x9000004A  }
0x6b: {  	s0 =	sadd.s32 @!p0 $0x100000, s1;
	[bflag:$0x2] =	sbarrier.arrive $0xFFFF  }
0x6c: {  	[sflag:s0] =	ssyncadd.tile.s32 @!p0 $0x1;
	_ =	shalt  }
.Lfunc_end2:
_tile_overlayer_lowered:
.L_overlay_start_2:
0x6d: {  	(tag) =	ssettag $0x2  }
0x6e: {  	s0 =	rddreg [dreg:$0x0];
	s2 =	stileid.u32  }
0x6f: {  	s1 =	rddreg [dreg:$0x1];
	p0 =	sne.s32 s2, $0x0  }
0x70: {  	s3 =	rddreg [dreg:$0x2];
	[bflag:$0x3] =	sbarrier.arrive $0xFFFF;
	s2 =	simm.s32 @!p0 $0x1C02  }
0x71: {  	[timem:s3], [sflag:s2] =	dma.local @!p0 [hbm:s0], s1  }
0x72: {  	s0 =	simm.s32 @!p0 $0x2  }
0x73: {  	_ =	swait.ge @!p0 [sflag:s0], s1  }
0x74: {  	s1 =	ssub.s32 @!p0 $0x0, s1;
	[sflag:s0] =	ssyncset.done @!p0 $0x0  }
0x75: {  	[sflag:s0] =	ssyncadd.s32 @!p0 s1  }
0x76: {  	[bflag:$0x3] =	sbarrier.arrive $0xFFFF  }
0x77: {  	_ =	shalt  }

// kernel: kernel.14.cloned.1.call-start
scs
__scs_entry_jumppad:
0x0: {  	(pc) =	sbr.rel $0x88, $3  }
0x1: {  	(tag) =	ssettag $0x0;
	lr =	simm.s32 $0x1  }
0x2: {  	[smem:$0x3F93] =	sst lr;
	_ =	strace $0xD0000000  }
0x3: {  	_ = 	snop  }
0x4: {  	_ = 	snop  }
0x5: {  	_ = 	snop  }
0x6: {  	_ = 	snop  }
0x7: {  	_ = 	snop  }
__scs_overlays_trampoline_lowered:
0x8: {  	[smem:$0x3FA2] =	sst s0  }
0x9: {  	[smem:$0x3FA3] =	sst s1  }
0xa: {  	[smem:$0x3FA4] =	sst s2  }
0xb: {  	[smem:$0x3FA5] =	sst s3  }
0xc: {  	[smem:$0x3FA6] =	sst s4  }
0xd: {  	[smem:$0x3FA7] =	sst s5  }
0xe: {  	[smem:$0x3FA8] =	sst s6  }
0xf: {  	[smem:$0x3FA9] =	sst s7  }
0x10: {  	[smem:$0x3FAA] =	sst s8  }
0x11: {  	[smem:$0x3FAB] =	sst s9;
	s0 =	simm.s32 @!p0 $0x0  }
0x12: {  	s1 =	sld [smem:$0x3F91];
	s0 =	simm.s32 @p0 $0x1  }
0x13: {  	[smem:$0x3FAC] =	sst s0;
	s0 =	simm.s32 @!p1 $0x0  }
0x14: {  	s2 =	sld [smem:$0x3F90];
	s0 =	simm.s32 @p1 $0x1  }
0x15: {  	[smem:$0x3FAD] =	sst s0;
	s0 =	simm.s32 @!p2 $0x0  }
0x16: {  	s3 =	sld [smem:$0x3FDB];
	s0 =	simm.s32 @p2 $0x1  }
0x17: {  	s4 =	simm.s32 $0x1BF5;
	[smem:$0x3FAF] =	sst s0  }
0x18: {  	s0 =	sld [smem:$0x3F92];
	_ =	swait.ge [sflag:s4], $0x0  }
0x19: {  	s7 =	sld [smem:$0x3F93]  }
0x1a: {  	s8 =	sadd.s32 $0xFFFFE003, lr  }
0x1b: {  	s9 =	sadd.s32 $0xFFFFFEF7, lr;
	s5 =	simm.s32 $0xFFFFFFFF;
	p2 =	slt.u32 s8, $0xFFFFF086  }
0x1c: {  	p1 =	slt.u32 s9, $0xF7A;
	s5 =	simm.s32 @!p2 $0x0  }
0x1d: {  	s5 =	simm.s32 @p1 $0x1;
	p0 =	seq.s32 s7, s2  }
0x1e: {  	s7 =	smul.u32 @!p0 $0xF7A, s2;
	p2 =	seq.s32 @!p0 s5, $0x0  }
0x1f: {  	s9 =	smul.u32 $0xF7A, s1;
	s8 =	simm.s32 @!p0 $0x1BF5;
	p2 =	por !p2, p0  }
0x20: {  	[sflag:s8] =	ssyncset.s32 @!p0 $0xFFFFF086;
	s6 =	sadd.s32 @!p0 s3, s7;
	s7 =	simm.s32 @!p0 $0x108  }
0x21: {  	s3 =	sadd.s32 s3, s9;
	s6 =	sadd.s32 @!p0 $0x88, s6;
	s7 =	simm.s32 @p2 $0x1082  }
0x22: {  	[simem:s7], [sflag:s8] =	dma.local @!p0 [hbm:s6], $0xF7A  }
0x23: {  	s9 =	sor.u32 $0xD0000000, s2;
	s6 =	simm.s32 $0x108;
	_ =	swait.ge @!p0 [sflag:s8], $0x0  }
0x24: {  	s3 =	sadd.s32 $0x88, s3;
	s6 =	simm.s32 @!p1 $0x1082;
	[sflag:s4] =	ssyncset.s32 $0xFFFFF086  }
0x25: {  	[simem:s6], [sflag:s4] =	dma.local [hbm:s3], $0xF7A  }
0x26: {  	[smem:$0x3F93] =	sst s1;
	(tag) =	ssettag s2;
	_ =	strace s9  }
0x27: {  	s1 =	sld [smem:$0x3FA3]  }
0x28: {  	s2 =	sld [smem:$0x3FA4]  }
0x29: {  	s4 =	sld [smem:$0x3FA6]  }
0x2a: {  	p0 =	seq.s32 s5, $0x0;
	s5 =	sld [smem:$0x3FA7]  }
0x2b: {  	s6 =	sld [smem:$0x3FA8]  }
0x2c: {  	s7 =	sld [smem:$0x3FA9]  }
0x2d: {  	s3 =	simm.s32 $0x108;
	s8 =	sld [smem:$0x3FAA]  }
0x2e: {  	s3 =	simm.s32 @!p0 $0x1082;
	s9 =	sld [smem:$0x3FAB]  }
0x2f: {  	lr =	sadd.s32 s0, s3;
	s0 =	sld [smem:$0x3FA2]  }
0x30: {  	s3 =	sld [smem:$0x3FA5]  }
0x31: {  	[smem:$0x3FAE] =	sst s10  }
0x32: {  	s10 =	sld [smem:$0x3FAC];
	_ =	sdelay $0x3  }
0x33: {  	p0 =	seq.s32 s10, $0x1;
	s10 =	sld [smem:$0x3FAE];
	_ =	sdelay $0x3  }
0x34: {  	[smem:$0x3FAE] =	sst s10  }
0x35: {  	s10 =	sld [smem:$0x3FAD];
	_ =	sdelay $0x3  }
0x36: {  	p1 =	seq.s32 s10, $0x1;
	s10 =	sld [smem:$0x3FAE];
	_ =	sdelay $0x3  }
0x37: {  	[smem:$0x3FAE] =	sst s10  }
0x38: {  	s10 =	sld [smem:$0x3FAF]  }
0x39: {  	_ = 	snop;
	(pc) =	sbr.ind lr, $3  }
0x3a: {  	_ = 	snop  }
0x3b: {  	_ = 	snop  }
0x3c: {  	p2 =	seq.s32 s10, $0x1;
	s10 =	sld [smem:$0x3FAE]  }
0x3d: {  	_ =	shalt  }
0x3e: {  	_ =	shalt  }
0x3f: {  	_ =	shalt  }
0x40: {  	_ =	shalt  }
0x41: {  	_ =	shalt  }
0x42: {  	_ =	shalt  }
0x43: {  	_ =	shalt  }
0x44: {  	_ =	shalt  }
0x45: {  	_ =	shalt  }
0x46: {  	_ =	shalt  }
0x47: {  	_ =	shalt  }
0x48: {  	_ =	shalt  }
0x49: {  	_ =	shalt  }
0x4a: {  	_ =	shalt  }
0x4b: {  	_ =	shalt  }
0x4c: {  	_ =	shalt  }
0x4d: {  	_ =	shalt  }
0x4e: {  	_ =	shalt  }
0x4f: {  	_ =	shalt  }
0x50: {  	_ =	shalt  }
0x51: {  	_ =	shalt  }
0x52: {  	_ =	shalt  }
0x53: {  	_ =	shalt  }
0x54: {  	_ =	shalt  }
0x55: {  	_ =	shalt  }
0x56: {  	_ =	shalt  }
0x57: {  	_ =	shalt  }
0x58: {  	_ =	shalt  }
0x59: {  	_ =	shalt  }
0x5a: {  	_ =	shalt  }
0x5b: {  	_ =	shalt  }
0x5c: {  	_ =	shalt  }
0x5d: {  	_ =	shalt  }
0x5e: {  	_ =	shalt  }
0x5f: {  	_ =	shalt  }
0x60: {  	_ =	shalt  }
0x61: {  	_ =	shalt  }
0x62: {  	_ =	shalt  }
0x63: {  	_ =	shalt  }
0x64: {  	_ =	shalt  }
0x65: {  	_ =	shalt  }
0x66: {  	_ =	shalt  }
0x67: {  	_ =	shalt  }
0x68: {  	_ =	shalt  }
0x69: {  	_ =	shalt  }
0x6a: {  	_ =	shalt  }
0x6b: {  	_ =	shalt  }
0x6c: {  	_ =	shalt  }
0x6d: {  	_ =	shalt  }
0x6e: {  	_ =	shalt  }
0x6f: {  	_ =	shalt  }
0x70: {  	_ =	shalt  }
0x71: {  	_ =	shalt  }
0x72: {  	_ =	shalt  }
0x73: {  	_ =	shalt  }
0x74: {  	_ =	shalt  }
0x75: {  	_ =	shalt  }
0x76: {  	_ =	shalt  }
0x77: {  	_ =	shalt  }
0x78: {  	_ =	shalt  }
0x79: {  	_ =	shalt  }
0x7a: {  	_ =	shalt  }
0x7b: {  	_ =	shalt  }
0x7c: {  	_ =	shalt  }
0x7d: {  	_ =	shalt  }
0x7e: {  	_ =	shalt  }
0x7f: {  	_ =	shalt  }
0x80: {  	_ =	shalt  }
0x81: {  	_ =	shalt  }
0x82: {  	_ =	shalt  }
0x83: {  	_ =	shalt  }
0x84: {  	_ =	shalt  }
0x85: {  	_ =	shalt  }
0x86: {  	_ =	shalt  }
0x87: {  	_ =	shalt  }
.Lfunc_end0:
.L_simem_size_0:
called_computation.2_lowered:
.L_overlay_start_0:
0x88: {  	s2 =	sld [smem:$0x3FD9]  }
0x89: {  	s3 =	sld [smem:$0x3FFE];
	_ =	sdelay $0x1  }
0x8a: {  	s1 =	srdreg.scid  }
0x8b: {  	s0 =	sand.u32 $0x1, s1  }
0x8c: {  	s16 =	sshll.u32 s0, $0xA;
	s2 =	sadd.s32 s3, s2  }
0x8d: {  	s2 =	sadd.s32 s2, s16  }
0x8e: {  	[smem:$0x3FBA] =	sst s2  }
0x8f: {  	_ = 	snop  }
0x90: {  	(tm) =	ssettm $0x1  }
0x91: {  	s17 =	sld [smem:$0x3FFB];
	_ =	sdelay $0x3  }
0x92: {  	_ =	strace s17  }
0x93: {  	s2 =	sld [smem:$0x3FFC];
	_ =	sdelay $0x3  }
0x94: {  	_ =	strace s2  }
0x95: {  	s2 =	sld [smem:$0x3FFD];
	_ =	sdelay $0x3  }
0x96: {  	_ =	strace s2  }
0x97: {  	_ =	strace $0x8FFFFFFF  }
0x98: {  	s18 =	sld [smem:$0x3FDB];
	_ =	sdelay $0x1  }
0x99: {  	s19 =	simm.s32 $_scs_section_size  }
0x9a: {  	s4 =	simm.s32 $_size__tile_overlayer_lowered;
	s5 =	simm.s32 $_tile_overlayer_lowered  }
0x9b: {  	s22 =	simm.s32 $0x1BFF;
	s21 =	sshll.u32 s5, $0x1;
	s2 =	sadd.s32 s19, s18  }
0x9c: {  	s6 =	simm.s32 $0x0;
	s20 =	sshll.u32 s4, $0x1;
	s4 =	sadd.s32 s21, s2  }
0x9d: {  	[timem:s6], [sflag:s22] =	dma.local [hbm:s4], s20  }
0x9e: {  	_ =	swait.ge [sflag:s22], s20  }
0x9f: {  	s3 =	ssub.s32 $0x0, s20;
	[sflag:s22] =	ssyncset.done $0x0  }
0xa0: {  	[sflag:s22] =	ssyncadd.s32 s3;
	_ =	sdelay $0x1  }
0xa1: {  	s23 =	simm.s32 $0x1B8B  }
0xa2: {  	_ =	swait.ge [sflag:s23], $0x1  }
0xa3: {  	[sflag:s23] =	ssyncset.done $0x0  }
0xa4: {  	s25 =	simm.s32 $0x1B8E;
	s24 =	sld [smem:$0x3FFE];
	[sflag:s23] =	ssyncadd.s32 $0xFFFFFFFF  }
0xa5: {  	s26 =	simm.s32 $execute0_lowered;
	[smem:$0x3FD2] =	sst s25  }
0xa6: {  	s4 =	sshll.u32 s26, $0x1;
	_ =	strace $0x8000004C;
	[dreg:$0x1] =	wrdreg $0xFFFFFFFF  }
0xa7: {  	s28 =	simm.s32 $_size_execute0_lowered;
	s2 =	sadd.s32 s2, s4;
	[dreg:$0x0] =	wrdreg $0x0  }
0xa8: {  	s4 =	sshll.u32 s28, $0x1;
	[dreg:$0x2] =	wrdreg s2  }
0xa9: {  	[dreg:$0x3] =	wrdreg s4  }
0xaa: {  	[dreg:$0x4] =	wrdreg $0xC0  }
0xab: {  	_ =	task [dreg:s6], $0x5FFFF  }
0xac: {  	[dreg:$0x1] =	wrdreg $0xFFFFFFFF  }
0xad: {  	[dreg:$0x0] =	wrdreg $0x60  }
0xae: {  	[dreg:$0x2] =	wrdreg s24  }
0xaf: {  	[dreg:$0x3] =	wrdreg $0xC6000  }
0xb0: {  	[dreg:$0x4] =	wrdreg $0x9  }
0xb1: {  	_ =	task.clear_ibuf [dreg:s6], $0x5FFFF;
	_ =	strace $0x9000004C  }
0xb2: {  	s29 =	simm.s32 $0x9;
	_ =	strace $0x8000004E  }
0xb3: {  	_ =	swait.ge [sflag:s29], $0x1  }
0xb4: {  	[sflag:s29] =	ssyncadd.s32 $0xFFFFFFFF  }
0xb5: {  	_ =	strace $0x9000004E  }
0xb6: {  	_ =	sfence  }
0xb7: {  	s30 =	sld [smem:$0x0];
	_ =	sdelay $0x2  }
0xb8: {  	s31 =	sshll.u32 s1, $0xD;
	s1 =	sshrl.u32 s1, $0x2  }
0xb9: {  	s3 =	sand.u32 $0x4000, s31;
	s1 =	sadd.s32 s1, s30  }
0xba: {  	s0 =	sor.u32 s3, s0;
	s1 =	sshll.u32 s1, $0x11  }
0xbb: {  	s0 =	sor.u32 s1, s0  }
0xbc: {  	s0 =	sadd.s32 $0x8F2B, s0  }
0xbd: {  	[sflag:s0] =	ssyncadd.remote.s32 $0x1  }
0xbe: {  	_ =	sfence.sel $0xFFFF  }
0xbf: {  	[dreg:$0x0] =	wrdreg $0xFFFFFFFF;
	(pc) =	sbr.abs _section_cstart, $3  }
0xc0: {  	[dreg:$0x1] =	wrdreg $0xFFFFFFFF  }
0xc1: {  	_ =	task.clear_ibuf [dreg:s6], $0x2FFFF;
	_ =	strace $0x9FFFFFFF  }
0xc2: {  	(tm) =	ssettm $0x7FFFFFFF  }
0xc3: {  	_ =	shalt  }
tec
execute0_lowered:
.L_overlay_start_1:
0x0: {  	(tag) =	ssettag $0x1  }
0x1: {  	s1 =	srdreg.scid;
	s5 =	rddreg [dreg:$0x0]  }
0x2: {  	s0 =	stileid.u32;
	s2 =	rddreg [dreg:$0x1]  }
0x3: {  	s3 =	simm.s32 $0x0;
	s19 =	simm.s32 $0xBE00;
	s7 =	smul.u32 $0x4F00, s0  }
0x4: {  	s20 =	simm.s32 $0x2;
	s21 =	simm.s32 $0x4F00;
	s8 =	smul.u32 $0xA000, s0  }
0x5: {  	s22 =	simm.s32 $0x100;
	s6 =	sand.u32 $0x1, s1;
	s11 =	smul.u32 $0x14000, s0  }
0x6: {  	s23 =	simm.s32 $0x9E00;
	s1 =	rddreg [dreg:$0x2];
	s4 =	smul.u32 $0x4F000, s6  }
0x7: {  	s24 =	simm.s32 $0x1;
	[smem:$0x7FF] =	sst s3;
	s10 =	smul.u32 $0xA0000, s6  }
0x8: {  	_ =	strace $0x8000004D;
	s29 =	ssub.s32 $0x2, s6;
	s30 =	sshrl.u32 s11, $0x2  }
0x9: {  	s31 =	sshrl.u32 s29, $0x1;
	s9 =	sadd.s32 s7, s4;
	s4 =	sadd.s32 $0x17800, s5  }
0xa: {  	s7 =	sshrl.u32 s7, $0x3;
	s10 =	sadd.s32 s8, s10;
	s8 =	sshrl.u32 s8, $0x1  }
0xb: {  	s14 =	sadd.s32 s30, s2;
	s18 =	ssub.s32 s29, s31;
	s9 =	sshrl.u32 s9, $0x3  }
0xc: {  	s16 =	sadd.s32 s7, s5;
	s28 =	sshrl.u32 s10, $0x4;
	s6 =	sadd.s32 $0x800, s14  }
0xd: {  	s7 =	sadd.s32 $0x1000, s14;
	s10 =	sadd.s32 $0x2800, s14;
	s11 =	sadd.s32 $0x3000, s14  }
0xe: {  	s12 =	sadd.s32 $0x3800, s14;
	s13 =	sadd.s32 $0x4000, s14;
	s18 =	smax.u32 s18, $0x1  }
0xf: {  	s15 =	sadd.s32 s9, s5;
	s17 =	sadd.s32 s28, s5;
	s5 =	sadd.s32 s8, s2  }
0x10: {  	s8 =	sadd.s32 $0x1800, s14;
	s9 =	sadd.s32 $0x2000, s14;
	s14 =	sadd.s32 $0x4800, s14  }
0x11: {  	v0 =	vimm.bf16 $0.0e+00;
	s16 =	sadd.s32 $0x2B200, s16;
	s15 =	sadd.s32 $0x3C00, s15;
	s17 =	sadd.s32 $0x35000, s17  }
.LBB2_1:
0x12: {  	s25 =	simm.s32 $0x80;
	s26 =	simm.s32 $0x0  }
.LBB2_2:
0x13: {  	p0 =	sne.s32 s25, $0x1F80;
	[tilespmem:s26+$0xBE00] =	vst v0;
	s28 =	smov.u32 s25;
	s25 =	sadd.s32 $0x80, s25  }
.Ltmp0:
0x14: {  	[tilespmem:s26+$0xBE10] =	vst v0;
	(pc) =	sbr.rel @p0 .LBB2_2-.Ltmp0, $2  }
0x15: {  	_ =	sdelay $0x2  }
0x16: {  	s26 =	sshra.s32 s28, $0x2  }
0x17: {  	[tilespmem:s26+$0xBE00] =	vst v0  }
0x18: {  	[tilespmem:s26+$0xBE10] =	vst v0  }
0x19: {  	[spmem:s5] =	stream.linear.scatter [tilespmem:s19], [sflag:$0x2], $0x800, $0x38;
	[tilespmem:$0x11600] =	vst v63  }
0x1a: {  	_ =	swait.ge [sflag:s20], $0x800  }
0x1b: {  	[sflag:s20] =	ssyncset.done $0x0  }
0x1c: {  	[sflag:s20] =	ssyncadd.s32 $0xFFFFF800  }
0x1d: {  	[spmem:s6] =	stream.linear.scatter [tilespmem:s19], [sflag:$0x2], $0x800, $0x38;
	[tilespmem:$0x11600] =	vst v63  }
0x1e: {  	_ =	swait.ge [sflag:s20], $0x800  }
0x1f: {  	[sflag:s20] =	ssyncset.done $0x0  }
0x20: {  	[sflag:s20] =	ssyncadd.s32 $0xFFFFF800  }
0x21: {  	[spmem:s7] =	stream.linear.scatter [tilespmem:s19], [sflag:$0x2], $0x800, $0x38;
	[tilespmem:$0x11600] =	vst v63  }
0x22: {  	_ =	swait.ge [sflag:s20], $0x800  }
0x23: {  	[sflag:s20] =	ssyncset.done $0x0  }
0x24: {  	[sflag:s20] =	ssyncadd.s32 $0xFFFFF800  }
0x25: {  	[spmem:s8] =	stream.linear.scatter [tilespmem:s19], [sflag:$0x2], $0x800, $0x38;
	[tilespmem:$0x11600] =	vst v63  }
0x26: {  	_ =	swait.ge [sflag:s20], $0x800  }
0x27: {  	[sflag:s20] =	ssyncset.done $0x0  }
0x28: {  	[sflag:s20] =	ssyncadd.s32 $0xFFFFF800  }
0x29: {  	[spmem:s9] =	stream.linear.scatter [tilespmem:s19], [sflag:$0x2], $0x800, $0x38;
	[tilespmem:$0x11600] =	vst v63  }
0x2a: {  	_ =	swait.ge [sflag:s20], $0x800  }
0x2b: {  	[sflag:s20] =	ssyncset.done $0x0  }
0x2c: {  	[sflag:s20] =	ssyncadd.s32 $0xFFFFF800  }
0x2d: {  	[spmem:s10] =	stream.linear.scatter [tilespmem:s19], [sflag:$0x2], $0x800, $0x38;
	[tilespmem:$0x11600] =	vst v63  }
0x2e: {  	_ =	swait.ge [sflag:s20], $0x800  }
0x2f: {  	[sflag:s20] =	ssyncset.done $0x0  }
0x30: {  	[sflag:s20] =	ssyncadd.s32 $0xFFFFF800  }
0x31: {  	[spmem:s11] =	stream.linear.scatter [tilespmem:s19], [sflag:$0x2], $0x800, $0x38;
	[tilespmem:$0x11600] =	vst v63  }
0x32: {  	_ =	swait.ge [sflag:s20], $0x800  }
0x33: {  	[sflag:s20] =	ssyncset.done $0x0  }
0x34: {  	[sflag:s20] =	ssyncadd.s32 $0xFFFFF800  }
0x35: {  	[spmem:s12] =	stream.linear.scatter [tilespmem:s19], [sflag:$0x2], $0x800, $0x38;
	[tilespmem:$0x11600] =	vst v63  }
0x36: {  	_ =	swait.ge [sflag:s20], $0x800  }
0x37: {  	[sflag:s20] =	ssyncset.done $0x0  }
0x38: {  	[sflag:s20] =	ssyncadd.s32 $0xFFFFF800  }
0x39: {  	[spmem:s13] =	stream.linear.scatter [tilespmem:s19], [sflag:$0x2], $0x800, $0x38;
	[tilespmem:$0x11600] =	vst v63  }
0x3a: {  	_ =	swait.ge [sflag:s20], $0x800  }
0x3b: {  	[sflag:s20] =	ssyncset.done $0x0  }
0x3c: {  	[sflag:s20] =	ssyncadd.s32 $0xFFFFF800  }
0x3d: {  	[spmem:s14] =	stream.linear.scatter [tilespmem:s19], [sflag:$0x2], $0x800, $0x38;
	[tilespmem:$0x11600] =	vst v63  }
0x3e: {  	_ =	swait.ge [sflag:s20], $0x800  }
0x3f: {  	[sflag:s20] =	ssyncset.done $0x0  }
0x40: {  	s25 =	simm.s32 $0x0;
	[sflag:s20] =	ssyncadd.s32 $0xFFFFF800  }
0x41: {  	[tilespmem:s25], [sflag:$0x2] =	stream.linear.gather [hbm4b:s15+s25], $0x4F00, $0x38;
	[tilespmem:$0x11600] =	vst v63  }
0x42: {  	_ =	swait.ge [sflag:s20], $0x4F00  }
0x43: {  	[sflag:s20] =	ssyncset.done $0x0  }
0x44: {  	[sflag:s20] =	ssyncadd.s32 $0xFFFFB100  }
0x45: {  	[tilespmem:s21], [sflag:$0x2] =	stream.linear.gather [hbm4b:s16+s25], $0x4F00, $0x38;
	[tilespmem:$0x11600] =	vst v63  }
0x46: {  	_ =	swait.ge [sflag:s20], $0x4F00  }
0x47: {  	[sflag:s20] =	ssyncset.done $0x0  }
0x48: {  	[sflag:s20] =	ssyncadd.s32 $0xFFFFB100  }
0x49: {  	s30 =	simm.s32 $0x0;
	[bflag:$0x0] =	sbarrier.arrive $0xFFFF  }
0x4a: {  	[tilespmem:s23], [sflag:$0x1] =	stream.indirect.gather [hbm4b:s4+s22], $0x20, s30, s22, $0xb8;
	[tilespmem:$0x11600] =	vst v63  }
0x4b: {  	_ =	swait.ge [sflag:s24], $0x2000  }
0x4c: {  	[sflag:s24] =	ssyncset.done $0x0  }
0x4d: {  	s31 =	simm.s32 $0x4F00;
	[sflag:s24] =	ssyncadd.s32 $0xFFFFE000  }
0x4e: {  	[spmem:s2] =	stream.indirect.scatter.add.bf16 [tilespmem:s23], [sflag:$0x2], $0x20, s31, s22, $0xb8;
	[tilespmem:$0x11600] =	vst v63  }
0x4f: {  	_ =	swait.ge [sflag:s20], $0x2000  }
0x50: {  	s26 =	simm.s32 $0x800;
	s25 =	simm.s32 $0x400;
	[sflag:s20] =	ssyncset.done $0x0  }
.LBB2_4:
0x51: {  	s28 =	sshra.s32 s25, $0x2  }
0x52: {  	[sflag:s20] =	ssyncadd.s32 $0xFFFFE000;
	s25 =	smov.u32 s26;
	s29 =	sadd.s32 $0x400, s26  }
0x53: {  	[tilespmem:s23], [sflag:$0x1] =	stream.indirect.gather [hbm4b:s4+s22], $0x20, s28, s22, $0xb8;
	[tilespmem:$0x11600] =	vst v63  }
0x54: {  	p0 =	sne.s32 s26, $0x13800;
	_ =	swait.ge [sflag:s24], $0x2000  }
.Ltmp1:
0x55: {  	[sflag:s24] =	ssyncset.done $0x0;
	(pc) =	sbr.rel @p0 .LBB2_4-.Ltmp1, $4  }
0x56: {  	s26 =	sadd.s32 $0x4F00, s28;
	[sflag:s24] =	ssyncadd.s32 $0xFFFFE000  }
0x57: {  	[spmem:s2] =	stream.indirect.scatter.add.bf16 [tilespmem:s23], [sflag:$0x2], $0x20, s26, s22, $0xb8;
	[tilespmem:$0x11600] =	vst v63  }
0x58: {  	_ =	swait.ge [sflag:s20], $0x2000  }
0x59: {  	s26 =	smov.u32 s29;
	[sflag:s20] =	ssyncset.done $0x0  }
0x5a: {  	s25 =	sshra.s32 s25, $0x2;
	[sflag:s20] =	ssyncadd.s32 $0xFFFFE000  }
0x5b: {  	[tilespmem:s23], [sflag:$0x1] =	stream.indirect.gather [hbm4b:s4+s22], $0x20, s25, s22, $0xb8;
	[tilespmem:$0x11600] =	vst v63  }
0x5c: {  	_ =	swait.ge [sflag:s24], $0x2000  }
0x5d: {  	[sflag:s24] =	ssyncset.done $0x0  }
0x5e: {  	s25 =	sadd.s32 $0x4F00, s25;
	[sflag:s24] =	ssyncadd.s32 $0xFFFFE000  }
0x5f: {  	[spmem:s2] =	stream.indirect.scatter.add.bf16 [tilespmem:s23], [sflag:$0x2], $0x20, s25, s22, $0xb8;
	[tilespmem:$0x11600] =	vst v63  }
0x60: {  	_ =	swait.ge [sflag:s20], $0x2000  }
0x61: {  	s31 =	sshll.u32 s0, $0x6;
	s3 =	sadd.s32 $0x1, s3;
	[sflag:s20] =	ssyncset.done $0x0  }
0x62: {  	s26 =	sshrl.u32 s5, $0x3;
	p0 =	sne.s32 s3, s18;
	[sflag:s20] =	ssyncadd.s32 $0xFFFFE000  }
.Ltmp2:
0x63: {  	s25 =	sor.u32 $0x1C02, s31;
	[bflag:$0x0] =	sbarrier.arrive $0xFFFF;
	(pc) =	sbr.rel @p0 .LBB2_1-.Ltmp2, $4  }
0x64: {  	[hbm:s17], [sflag:s25] =	dma.local [spmem:s26], $0xA00  }
0x65: {  	_ =	swait.ge [sflag:s20], $0xA00  }
0x66: {  	[sflag:s20] =	ssyncset.done $0x0  }
0x67: {  	[sflag:s20] =	ssyncadd.s32 $0xFFFFF600  }
0x68: {  	_ =	sfence.sel $0x180000  }
0x69: {  	[bflag:$0x0] =	sbarrier.arrive $0xFFFF  }
0x6a: {  	p0 =	sne.s32 s0, $0x0;
	_ =	strace $0x9000004D  }
0x6b: {  	s0 =	sadd.s32 @!p0 $0x100000, s1;
	[bflag:$0x2] =	sbarrier.arrive $0xFFFF  }
0x6c: {  	[sflag:s0] =	ssyncadd.tile.s32 @!p0 $0x1;
	_ =	shalt  }
.Lfunc_end2:
_tile_overlayer_lowered:
.L_overlay_start_2:
0x6d: {  	(tag) =	ssettag $0x2  }
0x6e: {  	s0 =	rddreg [dreg:$0x0];
	s2 =	stileid.u32  }
0x6f: {  	s1 =	rddreg [dreg:$0x1];
	p0 =	sne.s32 s2, $0x0  }
0x70: {  	s3 =	rddreg [dreg:$0x2];
	[bflag:$0x3] =	sbarrier.arrive $0xFFFF;
	s2 =	simm.s32 @!p0 $0x1C02  }
0x71: {  	[timem:s3], [sflag:s2] =	dma.local @!p0 [hbm:s0], s1  }
0x72: {  	s0 =	simm.s32 @!p0 $0x2  }
0x73: {  	_ =	swait.ge @!p0 [sflag:s0], s1  }
0x74: {  	s1 =	ssub.s32 @!p0 $0x0, s1;
	[sflag:s0] =	ssyncset.done @!p0 $0x0  }
0x75: {  	[sflag:s0] =	ssyncadd.s32 @!p0 s1  }
0x76: {  	[bflag:$0x3] =	sbarrier.arrive $0xFFFF  }
0x77: {  	_ =	shalt  }

// kernel: kernel.8.cloned.1.call-start
scs
__scs_entry_jumppad:
0x0: {  	(pc) =	sbr.rel $0x88, $3  }
0x1: {  	(tag) =	ssettag $0x0;
	lr =	simm.s32 $0x1  }
0x2: {  	[smem:$0x3F93] =	sst lr;
	_ =	strace $0xD0000000  }
0x3: {  	_ = 	snop  }
0x4: {  	_ = 	snop  }
0x5: {  	_ = 	snop  }
0x6: {  	_ = 	snop  }
0x7: {  	_ = 	snop  }
__scs_overlays_trampoline_lowered:
0x8: {  	[smem:$0x3FA2] =	sst s0  }
0x9: {  	[smem:$0x3FA3] =	sst s1  }
0xa: {  	[smem:$0x3FA4] =	sst s2  }
0xb: {  	[smem:$0x3FA5] =	sst s3  }
0xc: {  	[smem:$0x3FA6] =	sst s4  }
0xd: {  	[smem:$0x3FA7] =	sst s5  }
0xe: {  	[smem:$0x3FA8] =	sst s6  }
0xf: {  	[smem:$0x3FA9] =	sst s7  }
0x10: {  	[smem:$0x3FAA] =	sst s8  }
0x11: {  	[smem:$0x3FAB] =	sst s9;
	s0 =	simm.s32 @!p0 $0x0  }
0x12: {  	s1 =	sld [smem:$0x3F91];
	s0 =	simm.s32 @p0 $0x1  }
0x13: {  	[smem:$0x3FAC] =	sst s0;
	s0 =	simm.s32 @!p1 $0x0  }
0x14: {  	s2 =	sld [smem:$0x3F90];
	s0 =	simm.s32 @p1 $0x1  }
0x15: {  	[smem:$0x3FAD] =	sst s0;
	s0 =	simm.s32 @!p2 $0x0  }
0x16: {  	s3 =	sld [smem:$0x3FDB];
	s0 =	simm.s32 @p2 $0x1  }
0x17: {  	s4 =	simm.s32 $0x1BF5;
	[smem:$0x3FAF] =	sst s0  }
0x18: {  	s0 =	sld [smem:$0x3F92];
	_ =	swait.ge [sflag:s4], $0x0  }
0x19: {  	s7 =	sld [smem:$0x3F93]  }
0x1a: {  	s8 =	sadd.s32 $0xFFFFE003, lr  }
0x1b: {  	s9 =	sadd.s32 $0xFFFFFEF7, lr;
	s5 =	simm.s32 $0xFFFFFFFF;
	p2 =	slt.u32 s8, $0xFFFFF086  }
0x1c: {  	p1 =	slt.u32 s9, $0xF7A;
	s5 =	simm.s32 @!p2 $0x0  }
0x1d: {  	s5 =	simm.s32 @p1 $0x1;
	p0 =	seq.s32 s7, s2  }
0x1e: {  	s7 =	smul.u32 @!p0 $0xF7A, s2;
	p2 =	seq.s32 @!p0 s5, $0x0  }
0x1f: {  	s9 =	smul.u32 $0xF7A, s1;
	s8 =	simm.s32 @!p0 $0x1BF5;
	p2 =	por !p2, p0  }
0x20: {  	[sflag:s8] =	ssyncset.s32 @!p0 $0xFFFFF086;
	s6 =	sadd.s32 @!p0 s3, s7;
	s7 =	simm.s32 @!p0 $0x108  }
0x21: {  	s3 =	sadd.s32 s3, s9;
	s6 =	sadd.s32 @!p0 $0x88, s6;
	s7 =	simm.s32 @p2 $0x1082  }
0x22: {  	[simem:s7], [sflag:s8] =	dma.local @!p0 [hbm:s6], $0xF7A  }
0x23: {  	s9 =	sor.u32 $0xD0000000, s2;
	s6 =	simm.s32 $0x108;
	_ =	swait.ge @!p0 [sflag:s8], $0x0  }
0x24: {  	s3 =	sadd.s32 $0x88, s3;
	s6 =	simm.s32 @!p1 $0x1082;
	[sflag:s4] =	ssyncset.s32 $0xFFFFF086  }
0x25: {  	[simem:s6], [sflag:s4] =	dma.local [hbm:s3], $0xF7A  }
0x26: {  	[smem:$0x3F93] =	sst s1;
	(tag) =	ssettag s2;
	_ =	strace s9  }
0x27: {  	s1 =	sld [smem:$0x3FA3]  }
0x28: {  	s2 =	sld [smem:$0x3FA4]  }
0x29: {  	s4 =	sld [smem:$0x3FA6]  }
0x2a: {  	p0 =	seq.s32 s5, $0x0;
	s5 =	sld [smem:$0x3FA7]  }
0x2b: {  	s6 =	sld [smem:$0x3FA8]  }
0x2c: {  	s7 =	sld [smem:$0x3FA9]  }
0x2d: {  	s3 =	simm.s32 $0x108;
	s8 =	sld [smem:$0x3FAA]  }
0x2e: {  	s3 =	simm.s32 @!p0 $0x1082;
	s9 =	sld [smem:$0x3FAB]  }
0x2f: {  	lr =	sadd.s32 s0, s3;
	s0 =	sld [smem:$0x3FA2]  }
0x30: {  	s3 =	sld [smem:$0x3FA5]  }
0x31: {  	[smem:$0x3FAE] =	sst s10  }
0x32: {  	s10 =	sld [smem:$0x3FAC];
	_ =	sdelay $0x3  }
0x33: {  	p0 =	seq.s32 s10, $0x1;
	s10 =	sld [smem:$0x3FAE];
	_ =	sdelay $0x3  }
0x34: {  	[smem:$0x3FAE] =	sst s10  }
0x35: {  	s10 =	sld [smem:$0x3FAD];
	_ =	sdelay $0x3  }
0x36: {  	p1 =	seq.s32 s10, $0x1;
	s10 =	sld [smem:$0x3FAE];
	_ =	sdelay $0x3  }
0x37: {  	[smem:$0x3FAE] =	sst s10  }
0x38: {  	s10 =	sld [smem:$0x3FAF]  }
0x39: {  	_ = 	snop;
	(pc) =	sbr.ind lr, $3  }
0x3a: {  	_ = 	snop  }
0x3b: {  	_ = 	snop  }
0x3c: {  	p2 =	seq.s32 s10, $0x1;
	s10 =	sld [smem:$0x3FAE]  }
0x3d: {  	_ =	shalt  }
0x3e: {  	_ =	shalt  }
0x3f: {  	_ =	shalt  }
0x40: {  	_ =	shalt  }
0x41: {  	_ =	shalt  }
0x42: {  	_ =	shalt  }
0x43: {  	_ =	shalt  }
0x44: {  	_ =	shalt  }
0x45: {  	_ =	shalt  }
0x46: {  	_ =	shalt  }
0x47: {  	_ =	shalt  }
0x48: {  	_ =	shalt  }
0x49: {  	_ =	shalt  }
0x4a: {  	_ =	shalt  }
0x4b: {  	_ =	shalt  }
0x4c: {  	_ =	shalt  }
0x4d: {  	_ =	shalt  }
0x4e: {  	_ =	shalt  }
0x4f: {  	_ =	shalt  }
0x50: {  	_ =	shalt  }
0x51: {  	_ =	shalt  }
0x52: {  	_ =	shalt  }
0x53: {  	_ =	shalt  }
0x54: {  	_ =	shalt  }
0x55: {  	_ =	shalt  }
0x56: {  	_ =	shalt  }
0x57: {  	_ =	shalt  }
0x58: {  	_ =	shalt  }
0x59: {  	_ =	shalt  }
0x5a: {  	_ =	shalt  }
0x5b: {  	_ =	shalt  }
0x5c: {  	_ =	shalt  }
0x5d: {  	_ =	shalt  }
0x5e: {  	_ =	shalt  }
0x5f: {  	_ =	shalt  }
0x60: {  	_ =	shalt  }
0x61: {  	_ =	shalt  }
0x62: {  	_ =	shalt  }
0x63: {  	_ =	shalt  }
0x64: {  	_ =	shalt  }
0x65: {  	_ =	shalt  }
0x66: {  	_ =	shalt  }
0x67: {  	_ =	shalt  }
0x68: {  	_ =	shalt  }
0x69: {  	_ =	shalt  }
0x6a: {  	_ =	shalt  }
0x6b: {  	_ =	shalt  }
0x6c: {  	_ =	shalt  }
0x6d: {  	_ =	shalt  }
0x6e: {  	_ =	shalt  }
0x6f: {  	_ =	shalt  }
0x70: {  	_ =	shalt  }
0x71: {  	_ =	shalt  }
0x72: {  	_ =	shalt  }
0x73: {  	_ =	shalt  }
0x74: {  	_ =	shalt  }
0x75: {  	_ =	shalt  }
0x76: {  	_ =	shalt  }
0x77: {  	_ =	shalt  }
0x78: {  	_ =	shalt  }
0x79: {  	_ =	shalt  }
0x7a: {  	_ =	shalt  }
0x7b: {  	_ =	shalt  }
0x7c: {  	_ =	shalt  }
0x7d: {  	_ =	shalt  }
0x7e: {  	_ =	shalt  }
0x7f: {  	_ =	shalt  }
0x80: {  	_ =	shalt  }
0x81: {  	_ =	shalt  }
0x82: {  	_ =	shalt  }
0x83: {  	_ =	shalt  }
0x84: {  	_ =	shalt  }
0x85: {  	_ =	shalt  }
0x86: {  	_ =	shalt  }
0x87: {  	_ =	shalt  }
.Lfunc_end0:
.L_simem_size_0:
called_computation_lowered:
.L_overlay_start_0:
0x88: {  	s2 =	sld [smem:$0x3FD9]  }
0x89: {  	s3 =	sld [smem:$0x3FFE];
	_ =	sdelay $0x1  }
0x8a: {  	s1 =	srdreg.scid  }
0x8b: {  	s0 =	sand.u32 $0x1, s1  }
0x8c: {  	s16 =	sshll.u32 s0, $0xA;
	s2 =	sadd.s32 s3, s2  }
0x8d: {  	s2 =	sadd.s32 s2, s16  }
0x8e: {  	[smem:$0x3FBA] =	sst s2  }
0x8f: {  	_ = 	snop  }
0x90: {  	(tm) =	ssettm $0x1  }
0x91: {  	s17 =	sld [smem:$0x3FFB];
	_ =	sdelay $0x3  }
0x92: {  	_ =	strace s17  }
0x93: {  	s2 =	sld [smem:$0x3FFC];
	_ =	sdelay $0x3  }
0x94: {  	_ =	strace s2  }
0x95: {  	s2 =	sld [smem:$0x3FFD];
	_ =	sdelay $0x3  }
0x96: {  	_ =	strace s2  }
0x97: {  	_ =	strace $0x8FFFFFFF  }
0x98: {  	s18 =	sld [smem:$0x3FDB];
	_ =	sdelay $0x1  }
0x99: {  	s19 =	simm.s32 $_scs_section_size  }
0x9a: {  	s4 =	simm.s32 $_size__tile_overlayer_lowered;
	s5 =	simm.s32 $_tile_overlayer_lowered  }
0x9b: {  	s22 =	simm.s32 $0x1BFF;
	s21 =	sshll.u32 s5, $0x1;
	s2 =	sadd.s32 s19, s18  }
0x9c: {  	s6 =	simm.s32 $0x0;
	s20 =	sshll.u32 s4, $0x1;
	s4 =	sadd.s32 s21, s2  }
0x9d: {  	[timem:s6], [sflag:s22] =	dma.local [hbm:s4], s20  }
0x9e: {  	_ =	swait.ge [sflag:s22], s20  }
0x9f: {  	s3 =	ssub.s32 $0x0, s20;
	[sflag:s22] =	ssyncset.done $0x0  }
0xa0: {  	[sflag:s22] =	ssyncadd.s32 s3;
	_ =	sdelay $0x1  }
0xa1: {  	s23 =	simm.s32 $0x1B8B  }
0xa2: {  	_ =	swait.ge [sflag:s23], $0x1  }
0xa3: {  	[sflag:s23] =	ssyncset.done $0x0  }
0xa4: {  	s25 =	simm.s32 $0x1B8E;
	s24 =	sld [smem:$0x3FFE];
	[sflag:s23] =	ssyncadd.s32 $0xFFFFFFFF  }
0xa5: {  	s26 =	simm.s32 $execute0_lowered;
	[smem:$0x3FD2] =	sst s25  }
0xa6: {  	s4 =	sshll.u32 s26, $0x1;
	_ =	strace $0x80000046;
	[dreg:$0x1] =	wrdreg $0xFFFFFFFF  }
0xa7: {  	s28 =	simm.s32 $_size_execute0_lowered;
	s2 =	sadd.s32 s2, s4;
	[dreg:$0x0] =	wrdreg $0x0  }
0xa8: {  	s4 =	sshll.u32 s28, $0x1;
	[dreg:$0x2] =	wrdreg s2  }
0xa9: {  	[dreg:$0x3] =	wrdreg s4  }
0xaa: {  	[dreg:$0x4] =	wrdreg $0xC0  }
0xab: {  	_ =	task [dreg:s6], $0x5FFFF  }
0xac: {  	[dreg:$0x1] =	wrdreg $0xFFFFFFFF  }
0xad: {  	[dreg:$0x0] =	wrdreg $0x60  }
0xae: {  	[dreg:$0x2] =	wrdreg s24  }
0xaf: {  	[dreg:$0x3] =	wrdreg $0xC6000  }
0xb0: {  	[dreg:$0x4] =	wrdreg $0x9  }
0xb1: {  	_ =	task.clear_ibuf [dreg:s6], $0x5FFFF;
	_ =	strace $0x90000046  }
0xb2: {  	s29 =	simm.s32 $0x9;
	_ =	strace $0x80000048  }
0xb3: {  	_ =	swait.ge [sflag:s29], $0x1  }
0xb4: {  	[sflag:s29] =	ssyncadd.s32 $0xFFFFFFFF  }
0xb5: {  	_ =	strace $0x90000048  }
0xb6: {  	_ =	sfence  }
0xb7: {  	s30 =	sld [smem:$0x0];
	_ =	sdelay $0x2  }
0xb8: {  	s31 =	sshll.u32 s1, $0xD;
	s1 =	sshrl.u32 s1, $0x2  }
0xb9: {  	s3 =	sand.u32 $0x4000, s31;
	s1 =	sadd.s32 s1, s30  }
0xba: {  	s0 =	sor.u32 s3, s0;
	s1 =	sshll.u32 s1, $0x11  }
0xbb: {  	s0 =	sor.u32 s1, s0  }
0xbc: {  	s0 =	sadd.s32 $0x8F2B, s0  }
0xbd: {  	[sflag:s0] =	ssyncadd.remote.s32 $0x1  }
0xbe: {  	_ =	sfence.sel $0xFFFF  }
0xbf: {  	[dreg:$0x0] =	wrdreg $0xFFFFFFFF;
	(pc) =	sbr.abs _section_cstart, $3  }
0xc0: {  	[dreg:$0x1] =	wrdreg $0xFFFFFFFF  }
0xc1: {  	_ =	task.clear_ibuf [dreg:s6], $0x2FFFF;
	_ =	strace $0x9FFFFFFF  }
0xc2: {  	(tm) =	ssettm $0x7FFFFFFF  }
0xc3: {  	_ =	shalt  }
tec
execute0_lowered:
.L_overlay_start_1:
0x0: {  	(tag) =	ssettag $0x1  }
0x1: {  	s1 =	srdreg.scid;
	s5 =	rddreg [dreg:$0x0]  }
0x2: {  	s0 =	stileid.u32;
	s2 =	rddreg [dreg:$0x1]  }
0x3: {  	s3 =	simm.s32 $0x0;
	s19 =	simm.s32 $0xBE00;
	s7 =	smul.u32 $0x4F00, s0  }
0x4: {  	s20 =	simm.s32 $0x2;
	s21 =	simm.s32 $0x4F00;
	s8 =	smul.u32 $0xA000, s0  }
0x5: {  	s22 =	simm.s32 $0x100;
	s6 =	sand.u32 $0x1, s1;
	s11 =	smul.u32 $0x14000, s0  }
0x6: {  	s23 =	simm.s32 $0x9E00;
	s1 =	rddreg [dreg:$0x2];
	s4 =	smul.u32 $0x4F000, s6  }
0x7: {  	s24 =	simm.s32 $0x1;
	[smem:$0x7FF] =	sst s3;
	s10 =	smul.u32 $0xA0000, s6  }
0x8: {  	_ =	strace $0x80000047;
	s29 =	ssub.s32 $0x2, s6;
	s30 =	sshrl.u32 s11, $0x2  }
0x9: {  	s31 =	sshrl.u32 s29, $0x1;
	s9 =	sadd.s32 s7, s4;
	s4 =	sadd.s32 $0x17800, s5  }
0xa: {  	s7 =	sshrl.u32 s7, $0x3;
	s10 =	sadd.s32 s8, s10;
	s8 =	sshrl.u32 s8, $0x1  }
0xb: {  	s14 =	sadd.s32 s30, s2;
	s18 =	ssub.s32 s29, s31;
	s9 =	sshrl.u32 s9, $0x3  }
0xc: {  	s16 =	sadd.s32 s7, s5;
	s28 =	sshrl.u32 s10, $0x4;
	s6 =	sadd.s32 $0x800, s14  }
0xd: {  	s7 =	sadd.s32 $0x1000, s14;
	s10 =	sadd.s32 $0x2800, s14;
	s11 =	sadd.s32 $0x3000, s14  }
0xe: {  	s12 =	sadd.s32 $0x3800, s14;
	s13 =	sadd.s32 $0x4000, s14;
	s18 =	smax.u32 s18, $0x1  }
0xf: {  	s15 =	sadd.s32 s9, s5;
	s17 =	sadd.s32 s28, s5;
	s5 =	sadd.s32 s8, s2  }
0x10: {  	s8 =	sadd.s32 $0x1800, s14;
	s9 =	sadd.s32 $0x2000, s14;
	s14 =	sadd.s32 $0x4800, s14  }
0x11: {  	v0 =	vimm.bf16 $0.0e+00;
	s16 =	sadd.s32 $0x2B200, s16;
	s15 =	sadd.s32 $0x3C00, s15;
	s17 =	sadd.s32 $0x35000, s17  }
.LBB2_1:
0x12: {  	s25 =	simm.s32 $0x80;
	s26 =	simm.s32 $0x0  }
.LBB2_2:
0x13: {  	p0 =	sne.s32 s25, $0x1F80;
	[tilespmem:s26+$0xBE00] =	vst v0;
	s28 =	smov.u32 s25;
	s25 =	sadd.s32 $0x80, s25  }
.Ltmp0:
0x14: {  	[tilespmem:s26+$0xBE10] =	vst v0;
	(pc) =	sbr.rel @p0 .LBB2_2-.Ltmp0, $2  }
0x15: {  	_ =	sdelay $0x2  }
0x16: {  	s26 =	sshra.s32 s28, $0x2  }
0x17: {  	[tilespmem:s26+$0xBE00] =	vst v0  }
0x18: {  	[tilespmem:s26+$0xBE10] =	vst v0  }
0x19: {  	[spmem:s5] =	stream.linear.scatter [tilespmem:s19], [sflag:$0x2], $0x800, $0x38;
	[tilespmem:$0x11600] =	vst v63  }
0x1a: {  	_ =	swait.ge [sflag:s20], $0x800  }
0x1b: {  	[sflag:s20] =	ssyncset.done $0x0  }
0x1c: {  	[sflag:s20] =	ssyncadd.s32 $0xFFFFF800  }
0x1d: {  	[spmem:s6] =	stream.linear.scatter [tilespmem:s19], [sflag:$0x2], $0x800, $0x38;
	[tilespmem:$0x11600] =	vst v63  }
0x1e: {  	_ =	swait.ge [sflag:s20], $0x800  }
0x1f: {  	[sflag:s20] =	ssyncset.done $0x0  }
0x20: {  	[sflag:s20] =	ssyncadd.s32 $0xFFFFF800  }
0x21: {  	[spmem:s7] =	stream.linear.scatter [tilespmem:s19], [sflag:$0x2], $0x800, $0x38;
	[tilespmem:$0x11600] =	vst v63  }
0x22: {  	_ =	swait.ge [sflag:s20], $0x800  }
0x23: {  	[sflag:s20] =	ssyncset.done $0x0  }
0x24: {  	[sflag:s20] =	ssyncadd.s32 $0xFFFFF800  }
0x25: {  	[spmem:s8] =	stream.linear.scatter [tilespmem:s19], [sflag:$0x2], $0x800, $0x38;
	[tilespmem:$0x11600] =	vst v63  }
0x26: {  	_ =	swait.ge [sflag:s20], $0x800  }
0x27: {  	[sflag:s20] =	ssyncset.done $0x0  }
0x28: {  	[sflag:s20] =	ssyncadd.s32 $0xFFFFF800  }
0x29: {  	[spmem:s9] =	stream.linear.scatter [tilespmem:s19], [sflag:$0x2], $0x800, $0x38;
	[tilespmem:$0x11600] =	vst v63  }
0x2a: {  	_ =	swait.ge [sflag:s20], $0x800  }
0x2b: {  	[sflag:s20] =	ssyncset.done $0x0  }
0x2c: {  	[sflag:s20] =	ssyncadd.s32 $0xFFFFF800  }
0x2d: {  	[spmem:s10] =	stream.linear.scatter [tilespmem:s19], [sflag:$0x2], $0x800, $0x38;
	[tilespmem:$0x11600] =	vst v63  }
0x2e: {  	_ =	swait.ge [sflag:s20], $0x800  }
0x2f: {  	[sflag:s20] =	ssyncset.done $0x0  }
0x30: {  	[sflag:s20] =	ssyncadd.s32 $0xFFFFF800  }
0x31: {  	[spmem:s11] =	stream.linear.scatter [tilespmem:s19], [sflag:$0x2], $0x800, $0x38;
	[tilespmem:$0x11600] =	vst v63  }
0x32: {  	_ =	swait.ge [sflag:s20], $0x800  }
0x33: {  	[sflag:s20] =	ssyncset.done $0x0  }
0x34: {  	[sflag:s20] =	ssyncadd.s32 $0xFFFFF800  }
0x35: {  	[spmem:s12] =	stream.linear.scatter [tilespmem:s19], [sflag:$0x2], $0x800, $0x38;
	[tilespmem:$0x11600] =	vst v63  }
0x36: {  	_ =	swait.ge [sflag:s20], $0x800  }
0x37: {  	[sflag:s20] =	ssyncset.done $0x0  }
0x38: {  	[sflag:s20] =	ssyncadd.s32 $0xFFFFF800  }
0x39: {  	[spmem:s13] =	stream.linear.scatter [tilespmem:s19], [sflag:$0x2], $0x800, $0x38;
	[tilespmem:$0x11600] =	vst v63  }
0x3a: {  	_ =	swait.ge [sflag:s20], $0x800  }
0x3b: {  	[sflag:s20] =	ssyncset.done $0x0  }
0x3c: {  	[sflag:s20] =	ssyncadd.s32 $0xFFFFF800  }
0x3d: {  	[spmem:s14] =	stream.linear.scatter [tilespmem:s19], [sflag:$0x2], $0x800, $0x38;
	[tilespmem:$0x11600] =	vst v63  }
0x3e: {  	_ =	swait.ge [sflag:s20], $0x800  }
0x3f: {  	[sflag:s20] =	ssyncset.done $0x0  }
0x40: {  	s25 =	simm.s32 $0x0;
	[sflag:s20] =	ssyncadd.s32 $0xFFFFF800  }
0x41: {  	[tilespmem:s25], [sflag:$0x2] =	stream.linear.gather [hbm4b:s15+s25], $0x4F00, $0x38;
	[tilespmem:$0x11600] =	vst v63  }
0x42: {  	_ =	swait.ge [sflag:s20], $0x4F00  }
0x43: {  	[sflag:s20] =	ssyncset.done $0x0  }
0x44: {  	[sflag:s20] =	ssyncadd.s32 $0xFFFFB100  }
0x45: {  	[tilespmem:s21], [sflag:$0x2] =	stream.linear.gather [hbm4b:s16+s25], $0x4F00, $0x38;
	[tilespmem:$0x11600] =	vst v63  }
0x46: {  	_ =	swait.ge [sflag:s20], $0x4F00  }
0x47: {  	[sflag:s20] =	ssyncset.done $0x0  }
0x48: {  	[sflag:s20] =	ssyncadd.s32 $0xFFFFB100  }
0x49: {  	s30 =	simm.s32 $0x0;
	[bflag:$0x0] =	sbarrier.arrive $0xFFFF  }
0x4a: {  	[tilespmem:s23], [sflag:$0x1] =	stream.indirect.gather [hbm4b:s4+s22], $0x20, s30, s22, $0xb8;
	[tilespmem:$0x11600] =	vst v63  }
0x4b: {  	_ =	swait.ge [sflag:s24], $0x2000  }
0x4c: {  	[sflag:s24] =	ssyncset.done $0x0  }
0x4d: {  	s31 =	simm.s32 $0x4F00;
	[sflag:s24] =	ssyncadd.s32 $0xFFFFE000  }
0x4e: {  	[spmem:s2] =	stream.indirect.scatter.add.bf16 [tilespmem:s23], [sflag:$0x2], $0x20, s31, s22, $0xb8;
	[tilespmem:$0x11600] =	vst v63  }
0x4f: {  	_ =	swait.ge [sflag:s20], $0x2000  }
0x50: {  	s26 =	simm.s32 $0x800;
	s25 =	simm.s32 $0x400;
	[sflag:s20] =	ssyncset.done $0x0  }
.LBB2_4:
0x51: {  	s28 =	sshra.s32 s25, $0x2  }
0x52: {  	[sflag:s20] =	ssyncadd.s32 $0xFFFFE000;
	s25 =	smov.u32 s26;
	s29 =	sadd.s32 $0x400, s26  }
0x53: {  	[tilespmem:s23], [sflag:$0x1] =	stream.indirect.gather [hbm4b:s4+s22], $0x20, s28, s22, $0xb8;
	[tilespmem:$0x11600] =	vst v63  }
0x54: {  	p0 =	sne.s32 s26, $0x13800;
	_ =	swait.ge [sflag:s24], $0x2000  }
.Ltmp1:
0x55: {  	[sflag:s24] =	ssyncset.done $0x0;
	(pc) =	sbr.rel @p0 .LBB2_4-.Ltmp1, $4  }
0x56: {  	s26 =	sadd.s32 $0x4F00, s28;
	[sflag:s24] =	ssyncadd.s32 $0xFFFFE000  }
0x57: {  	[spmem:s2] =	stream.indirect.scatter.add.bf16 [tilespmem:s23], [sflag:$0x2], $0x20, s26, s22, $0xb8;
	[tilespmem:$0x11600] =	vst v63  }
0x58: {  	_ =	swait.ge [sflag:s20], $0x2000  }
0x59: {  	s26 =	smov.u32 s29;
	[sflag:s20] =	ssyncset.done $0x0  }
0x5a: {  	s25 =	sshra.s32 s25, $0x2;
	[sflag:s20] =	ssyncadd.s32 $0xFFFFE000  }
0x5b: {  	[tilespmem:s23], [sflag:$0x1] =	stream.indirect.gather [hbm4b:s4+s22], $0x20, s25, s22, $0xb8;
	[tilespmem:$0x11600] =	vst v63  }
0x5c: {  	_ =	swait.ge [sflag:s24], $0x2000  }
0x5d: {  	[sflag:s24] =	ssyncset.done $0x0  }
0x5e: {  	s25 =	sadd.s32 $0x4F00, s25;
	[sflag:s24] =	ssyncadd.s32 $0xFFFFE000  }
0x5f: {  	[spmem:s2] =	stream.indirect.scatter.add.bf16 [tilespmem:s23], [sflag:$0x2], $0x20, s25, s22, $0xb8;
	[tilespmem:$0x11600] =	vst v63  }
0x60: {  	_ =	swait.ge [sflag:s20], $0x2000  }
0x61: {  	s31 =	sshll.u32 s0, $0x6;
	s3 =	sadd.s32 $0x1, s3;
	[sflag:s20] =	ssyncset.done $0x0  }
0x62: {  	s26 =	sshrl.u32 s5, $0x3;
	p0 =	sne.s32 s3, s18;
	[sflag:s20] =	ssyncadd.s32 $0xFFFFE000  }
.Ltmp2:
0x63: {  	s25 =	sor.u32 $0x1C02, s31;
	[bflag:$0x0] =	sbarrier.arrive $0xFFFF;
	(pc) =	sbr.rel @p0 .LBB2_1-.Ltmp2, $4  }
0x64: {  	[hbm:s17], [sflag:s25] =	dma.local [spmem:s26], $0xA00  }
0x65: {  	_ =	swait.ge [sflag:s20], $0xA00  }
0x66: {  	[sflag:s20] =	ssyncset.done $0x0  }
0x67: {  	[sflag:s20] =	ssyncadd.s32 $0xFFFFF600  }
0x68: {  	_ =	sfence.sel $0x180000  }
0x69: {  	[bflag:$0x0] =	sbarrier.arrive $0xFFFF  }
0x6a: {  	p0 =	sne.s32 s0, $0x0;
	_ =	strace $0x90000047  }
0x6b: {  	s0 =	sadd.s32 @!p0 $0x100000, s1;
	[bflag:$0x2] =	sbarrier.arrive $0xFFFF  }
0x6c: {  	[sflag:s0] =	ssyncadd.tile.s32 @!p0 $0x1;
	_ =	shalt  }
.Lfunc_end2:
_tile_overlayer_lowered:
.L_overlay_start_2:
0x6d: {  	(tag) =	ssettag $0x2  }
0x6e: {  	s0 =	rddreg [dreg:$0x0];
	s2 =	stileid.u32  }
0x6f: {  	s1 =	rddreg [dreg:$0x1];
	p0 =	sne.s32 s2, $0x0  }
0x70: {  	s3 =	rddreg [dreg:$0x2];
	[bflag:$0x3] =	sbarrier.arrive $0xFFFF;
	s2 =	simm.s32 @!p0 $0x1C02  }
0x71: {  	[timem:s3], [sflag:s2] =	dma.local @!p0 [hbm:s0], s1  }
0x72: {  	s0 =	simm.s32 @!p0 $0x2  }
0x73: {  	_ =	swait.ge @!p0 [sflag:s0], s1  }
0x74: {  	s1 =	ssub.s32 @!p0 $0x0, s1;
	[sflag:s0] =	ssyncset.done @!p0 $0x0  }
0x75: {  	[sflag:s0] =	ssyncadd.s32 @!p0 s1  }
0x76: {  	[bflag:$0x3] =	sbarrier.arrive $0xFFFF  }
0x77: {  	_ =	shalt  }

</sc_bundles>
